<compile_context>
chip_gen: v7x
topology: tpu7x:2x2x1
jax: 0.10.2.dev20260603
libtpu: 0.0.44.dev20260713+nightly
codegen_flags: <defaults>
</compile_context>

<pallas_src>
import functools

import jax
import jax.numpy as jnp
from jax import lax
from jax.experimental import pallas as pl
from jax.experimental.pallas import tpu as pltpu
from jax.experimental.pallas import tpu_sc as plsc

F32 = jnp.float32
_NS = 16
_NC = 2
_CH = 128


@functools.lru_cache(maxsize=None)
def _deg_kernel(n_pad, e_pad, w):
    rows_pt = n_pad // _NS
    edges_pt = e_pad // _NS
    nchunk = edges_pt // _CH
    mesh = plsc.VectorSubcoreMesh(core_axis_name="c", subcore_axis_name="s")

    @functools.partial(
        pl.kernel,
        mesh=mesh,
        out_type=jax.ShapeDtypeStruct((_NC * n_pad, w), F32),
        scratch_types=[pltpu.VMEM((_CH,), jnp.int32),
                       pltpu.VMEM((_CH,), jnp.int32),
                       pltpu.VMEM((_CH, w), F32),
                       pltpu.VMEM_SHARED((n_pad, w), F32),
                       pltpu.SemaphoreType.DMA,
                       pltpu.SemaphoreType.DMA],
    )
    def deg(idx2p, zeros16, ones16, hist2, idxv_a, idxv_b, ones_v, hist,
            sem_ia, sem_ib):
        c = lax.axis_index("c")
        s = lax.axis_index("s")
        pltpu.sync_copy(zeros16, hist.at[pl.ds(s * rows_pt, rows_pt)])
        pltpu.sync_copy(ones16, ones_v)
        plsc.subcore_barrier()
        base = c * e_pad + s * edges_pt

        def iload(j, idxv, sem):
            pltpu.async_copy(idx2p.at[pl.ds(base + j * _CH, _CH)], idxv, sem)

        def iwait(idxv, sem):
            pltpu.make_async_copy(idx2p.at[pl.ds(0, _CH)], idxv, sem).wait()

        iload(0, idxv_a, sem_ia)
        iload(1, idxv_b, sem_ib)

        def pair(jj, carry):
            j = jj * 2
            iwait(idxv_a, sem_ia)
            pltpu.sync_copy(ones_v, hist.at[idxv_a], add=True)
            iload(j + 2, idxv_a, sem_ia)
            iwait(idxv_b, sem_ib)
            pltpu.sync_copy(ones_v, hist.at[idxv_b], add=True)
            iload(j + 3, idxv_b, sem_ib)
            return carry

        lax.fori_loop(0, nchunk // 2, pair, 0)
        if nchunk % 2 == 1:
            iwait(idxv_a, sem_ia)
            pltpu.sync_copy(ones_v, hist.at[idxv_a], add=True)
            iwait(idxv_b, sem_ib)
        else:
            iwait(idxv_a, sem_ia)
            iwait(idxv_b, sem_ib)
        plsc.subcore_barrier()
        sl = pl.ds(s * rows_pt, rows_pt)
        pltpu.sync_copy(hist.at[sl],
                        hist2.at[pl.ds(c * n_pad + s * rows_pt, rows_pt)])

    return deg


def _vcopy128(src_ref, soff, dst_ref):
    for k in range(8):
        dst_ref[pl.ds(k * 16, 16)] = src_ref[pl.ds(soff + k * 16, 16)]


@functools.lru_cache(maxsize=None)
def _agg_kernel(n_pad, e_pad, h):
    rows_pt = n_pad // _NS
    edges_pt = e_pad // _NS
    nchunk = edges_pt // _CH
    mesh = plsc.VectorSubcoreMesh(core_axis_name="c", subcore_axis_name="s")

    @functools.partial(
        pl.kernel,
        mesh=mesh,
        out_type=jax.ShapeDtypeStruct((_NC * n_pad, h), F32),
        scratch_types=[pltpu.VMEM(((nchunk + 1) * _CH,), jnp.int32),
                       pltpu.VMEM((_CH,), jnp.int32),
                       pltpu.VMEM((_CH,), jnp.int32),
                       pltpu.VMEM((_CH,), jnp.int32),
                       pltpu.VMEM((_CH,), jnp.int32),
                       pltpu.VMEM((_CH, h), F32),
                       pltpu.VMEM((_CH, h), F32),
                       pltpu.VMEM_SHARED((n_pad, h), F32),
                       pltpu.SemaphoreType.DMA,
                       pltpu.SemaphoreType.DMA,
                       pltpu.SemaphoreType.DMA,
                       pltpu.SemaphoreType.DMA,
                       pltpu.SemaphoreType.DMA,
                       pltpu.SemaphoreType.DMA],
    )
    def agg(table2, src2f, dst_f2, zrow, out2, idx_s, isw_a, isw_b, idw_a,
            idw_b, rows_a, rows_b, acc, sem_a, sem_b, sem_da, sem_db,
            sem_sa, sem_sb):
        c = lax.axis_index("c")
        s = lax.axis_index("s")
        sbase = c * e_pad + s * edges_pt
        dbase = s * edges_pt
        pltpu.sync_copy(src2f.at[pl.ds(sbase, (nchunk + 1) * _CH)], idx_s)
        pltpu.sync_copy(zrow, acc.at[pl.ds(s * rows_pt, rows_pt)])
        plsc.subcore_barrier()

        def gatherw(isw, rows, sem):
            pltpu.async_copy(table2.at[isw], rows, sem)

        def gwaitw(isw, rows, sem):
            pltpu.make_async_copy(table2.at[isw], rows, sem).wait()

        def dload(j, idw, sem):
            pltpu.async_copy(dst_f2.at[pl.ds(dbase + j * _CH, _CH)], idw, sem)

        def dwait(idw, sem):
            pltpu.make_async_copy(dst_f2.at[pl.ds(0, _CH)], idw, sem).wait()

        def scat(rows, idw, sem):
            pltpu.async_copy(rows, acc.at[idw], sem, add=True)

        def swait(rows, idw, sem):
            pltpu.make_async_copy(rows, acc.at[idw], sem).wait()

        _vcopy128(idx_s, 0, isw_a)
        dload(0, idw_a, sem_da)
        gatherw(isw_a, rows_a, sem_a)

        def pair(jj, carry):
            j = jj * 2
            gwaitw(isw_a, rows_a, sem_a)
            dwait(idw_a, sem_da)
            scat(rows_a, idw_a, sem_sa)
            _vcopy128(idx_s, (j + 1) * _CH, isw_b)
            gatherw(isw_b, rows_b, sem_b)
            dload(j + 1, idw_b, sem_db)
            swait(rows_a, idw_a, sem_sa)
            gwaitw(isw_b, rows_b, sem_b)
            dwait(idw_b, sem_db)
            scat(rows_b, idw_b, sem_sb)
            _vcopy128(idx_s, (j + 2) * _CH, isw_a)
            gatherw(isw_a, rows_a, sem_a)
            dload(j + 2, idw_a, sem_da)
            swait(rows_b, idw_b, sem_sb)
            return carry

        lax.fori_loop(0, nchunk // 2, pair, 0)
        if nchunk % 2 == 1:
            gwaitw(isw_a, rows_a, sem_a)
            dwait(idw_a, sem_da)
            scat(rows_a, idw_a, sem_sa)
            swait(rows_a, idw_a, sem_sa)
        else:
            gwaitw(isw_a, rows_a, sem_a)
            dwait(idw_a, sem_da)
        plsc.subcore_barrier()
        sl = pl.ds(s * rows_pt, rows_pt)
        pltpu.sync_copy(acc.at[sl],
                        out2.at[pl.ds(c * n_pad + s * rows_pt, rows_pt)])

    return agg


def _relu(v):
    return jnp.maximum(v, 0.0)


def _rs(deg_col):
    return lax.rsqrt(jnp.maximum(deg_col, 1.0))


def _tc_in(x, hist2, w1, n_pad):
    n, f = x.shape
    h = f // 2
    br = n_pad // _NS

    def body(x_ref, d_ref, w_ref, o_ref):
        so = _rs(d_ref[:, 0:1])
        o_ref[...] = jnp.dot(x_ref[...] * so, w_ref[...],
                             preferred_element_type=F32)

    return pl.pallas_call(
        body,
        grid=(_NC, _NS),
        in_specs=[pl.BlockSpec((br, f), lambda j, i: (i, 0)),
                  pl.BlockSpec((br, h), lambda j, i: (i, 0)),
                  pl.BlockSpec((f, h), lambda j, i: (0, j))],
        out_specs=pl.BlockSpec((br, h), lambda j, i: (j * _NS + i, 0)),
        out_shape=jax.ShapeDtypeStruct((_NC * n_pad, h), F32),
    )(x, hist2, w1)


def _tc_mid(agg2, hist2, b, w2, n_pad):
    h = agg2.shape[1]
    f = 2 * h
    br = n_pad // _NS

    def body(aa_ref, ab_ref, di_ref, do_ref, b_ref, w_ref, o_ref):
        si = _rs(di_ref[:, 0:1])
        so = _rs(do_ref[:, 0:1])
        ha = _relu(aa_ref[...] * si + b_ref[0:1, :h]) * so
        hb = _relu(ab_ref[...] * si + b_ref[0:1, h:]) * so
        o_ref[...] = (jnp.dot(ha, w_ref[:h, :], preferred_element_type=F32)
                      + jnp.dot(hb, w_ref[h:, :], preferred_element_type=F32))

    return pl.pallas_call(
        body,
        grid=(_NC, _NS),
        in_specs=[pl.BlockSpec((br, h), lambda j, i: (i, 0)),
                  pl.BlockSpec((br, h), lambda j, i: (i + _NS, 0)),
                  pl.BlockSpec((br, h), lambda j, i: (i + _NS, 0)),
                  pl.BlockSpec((br, h), lambda j, i: (i, 0)),
                  pl.BlockSpec((1, f), lambda j, i: (0, 0)),
                  pl.BlockSpec((f, h), lambda j, i: (0, j))],
        out_specs=pl.BlockSpec((br, h), lambda j, i: (j * _NS + i, 0)),
        out_shape=jax.ShapeDtypeStruct((_NC * n_pad, h), F32),
    )(agg2, agg2, hist2, hist2, b, w2)


def _tc_out(agg2, hist2, b2, wd1, bd1, wd2, bd2, wfc, bfc, n_pad, n):
    h = agg2.shape[1]
    f = 2 * h
    ncls = wfc.shape[1]
    br = n_pad // _NS

    def body(aa_ref, ab_ref, di_ref, b2_ref, wd1_ref, bd1_ref, wd2_ref,
             bd2_ref, wfc_ref, bfc_ref, lg_ref, xd_ref):
        si = _rs(di_ref[:, 0:1])
        ha = _relu(aa_ref[...] * si + b2_ref[0:1, :h])
        hb = _relu(ab_ref[...] * si + b2_ref[0:1, h:])
        h2 = jnp.concatenate([ha, hb], axis=1)
        t = _relu(jnp.dot(h2, wd1_ref[...], preferred_element_type=F32)
                  + bd1_ref[0:1, :])
        xd_ref[...] = (jnp.dot(t, wd2_ref[...], preferred_element_type=F32)
                       + bd2_ref[0:1, :])
        lg_ref[...] = (jnp.dot(h2, wfc_ref[...], preferred_element_type=F32)
                       + bfc_ref[0:1, :])

    return pl.pallas_call(
        body,
        grid=(_NS,),
        in_specs=[pl.BlockSpec((br, h), lambda i: (i, 0)),
                  pl.BlockSpec((br, h), lambda i: (i + _NS, 0)),
                  pl.BlockSpec((br, h), lambda i: (i + _NS, 0)),
                  pl.BlockSpec((1, f), lambda i: (0, 0)),
                  pl.BlockSpec((f, f), lambda i: (0, 0)),
                  pl.BlockSpec((1, f), lambda i: (0, 0)),
                  pl.BlockSpec((f, f), lambda i: (0, 0)),
                  pl.BlockSpec((1, f), lambda i: (0, 0)),
                  pl.BlockSpec((f, ncls), lambda i: (0, 0)),
                  pl.BlockSpec((1, ncls), lambda i: (0, 0))],
        out_specs=[pl.BlockSpec((br, ncls), lambda i: (i, 0)),
                   pl.BlockSpec((br, f), lambda i: (i, 0))],
        out_shape=[jax.ShapeDtypeStruct((n, ncls), F32),
                   jax.ShapeDtypeStruct((n, f), F32)],
    )(agg2, agg2, hist2, b2, wd1, bd1, wd2, bd2, wfc, bfc)


def kernel(x, edge_index, W1, b1, W2, b2, Wd1, bd1, Wd2, bd2, Wfc, bfc):
    n, f = x.shape
    h = f // 2
    e = edge_index.shape[1]
    gran = _NS * _CH
    e_pad = ((e + gran - 1) // gran) * gran
    n_pad = ((n + 1 + _NS * 8 - 1) // (_NS * 8)) * (_NS * 8)

    src = edge_index[0]
    dst = edge_index[1]
    pad = e_pad - e
    src_h = jnp.concatenate([src, jnp.full((pad,), n, jnp.int32)])
    src_g = jnp.concatenate([src, jnp.zeros((pad,), jnp.int32)])
    dst_h = jnp.concatenate([dst, jnp.full((pad,), n, jnp.int32)])
    idx2 = jnp.concatenate([src_h, dst_h,
                            jnp.zeros((2 * _CH,), jnp.int32)])
    src2f = jnp.concatenate([src_g, src_g + n_pad,
                             jnp.zeros((_CH,), jnp.int32)])
    dst_f2 = jnp.concatenate([dst_h, jnp.zeros((_CH,), jnp.int32)])
    ones_w = jnp.ones((_CH, h), F32)
    zrow = jnp.zeros((n_pad // _NS, h), F32)

    hist2 = _deg_kernel(n_pad, e_pad, h)(idx2, zrow, ones_w)
    h0 = _tc_in(x, hist2, W1, n_pad)
    a1 = _agg_kernel(n_pad, e_pad, h)(h0, src2f, dst_f2, zrow)
    h1 = _tc_mid(a1, hist2, b1.reshape(1, f), W2, n_pad)
    a2 = _agg_kernel(n_pad, e_pad, h)(h1, src2f, dst_f2, zrow)
    logits, x_d = _tc_out(a2, hist2, b2.reshape(1, f),
                          Wd1, bd1.reshape(1, f), Wd2, bd2.reshape(1, f),
                          Wfc, bfc.reshape(1, Wfc.shape[1]), n_pad, n)
    return (logits, x_d)

# --- scband reference (transcript-rebuilt; emitter-appended) ---
"""Pipeline reference for scband-fgcn-26671746908234 (READ-ONLY COPY).

The authoritative reference and input builder live on the scoring server;
editing this copy changes nothing except your own understanding.
"""

import jax, jax.numpy as jnp
import numpy as np

N = 10000
E = 160000
NFEAT = 256
NHID = 256
NCLASS = 16

def _glorot(key, shape):
    s = np.sqrt(6.0 / (shape[0] + shape[1]))
    return jax.random.uniform(key, shape, minval=-s, maxval=s, dtype=jnp.float32)

def setup_inputs(seed: int = 0):
    key = jax.random.key(seed)
    ks = jax.random.split(key, 16)
    x = jax.random.normal(ks[0], (N, NFEAT), dtype=jnp.float32)
    edge_index = jax.random.randint(ks[1], (2, E), 0, N, dtype=jnp.int32)
    return {
        "x": x,
        "edge_index": edge_index,
        "W1": _glorot(ks[2], (NFEAT, NHID)),
        "b1": jnp.zeros((NHID,), jnp.float32),
        "W2": _glorot(ks[3], (NHID, NHID)),
        "b2": jnp.zeros((NHID,), jnp.float32),
        "Wd1": _glorot(ks[4], (NHID, NHID)),
        "bd1": jnp.zeros((NHID,), jnp.float32),
        "Wd2": _glorot(ks[5], (NHID, NFEAT)),
        "bd2": jnp.zeros((NFEAT,), jnp.float32),
        "Wfc": _glorot(ks[6], (NHID, NCLASS)),
        "bfc": jnp.zeros((NCLASS,), jnp.float32),
    }

def _gcn_conv(x, src, dst, W, b, n_nodes):
    # DGL GraphConv with norm='both': D_out^{-1/2} -> message sum -> D_in^{-1/2} -> W, b
    ones = jnp.ones(src.shape[0], dtype=x.dtype)
    deg_out = jnp.maximum(jax.ops.segment_sum(ones, src, num_segments=n_nodes), 1.0)
    deg_in = jnp.maximum(jax.ops.segment_sum(ones, dst, num_segments=n_nodes), 1.0)
    h = x * (deg_out ** -0.5)[:, None]
    h = h @ W
    agg = jax.ops.segment_sum(h[src], dst, num_segments=n_nodes)
    agg = agg * (deg_in ** -0.5)[:, None]
    return agg + b

def reference(x, edge_index, W1, b1, W2, b2, Wd1, bd1, Wd2, bd2, Wfc, bfc):
    # eval mode: F.dropout(training=False) is identity
    src = edge_index[0]
    dst = edge_index[1]
    n = x.shape[0]
    h = jax.nn.relu(_gcn_conv(x, src, dst, W1, b1, n))
    h = jax.nn.relu(_gcn_conv(h, src, dst, W2, b2, n))
    x_d = jax.nn.relu(h @ Wd1 + bd1)
    x_d = x_d @ Wd2 + bd2
    logits = h @ Wfc + bfc
    return (logits, x_d)

if __name__ == "__main__":
    import jax
    _d = setup_inputs()
    print(jax.jit(kernel)(*tuple(_d.values())))

</pallas_src>

<mosaic_0001>
#map = affine_map<(d0, d1) -> (0)>
#map1 = affine_map<(d0, d1) -> (0, 0)>
module attributes {stable_mosaic.version = 14 : i64} {
  func.func @deg(%arg0: i32, %arg1: i32, %arg2: memref<323840xi32, #tpu.memory_space<hbm>>, %arg3: memref<632x128xf32, #tpu.memory_space<hbm>>, %arg4: memref<128x128xf32, #tpu.memory_space<hbm>>, %arg5: memref<20224x128xf32, #tpu.memory_space<hbm>>, %arg6: memref<128xi32, #tpu.memory_space<vmem>>, %arg7: memref<128xi32, #tpu.memory_space<vmem>>, %arg8: memref<128x128xf32, #tpu.memory_space<vmem>>, %arg9: memref<10112x128xf32, #tpu.memory_space<vmem_shared>>, %arg10: memref<!tpu.dma_semaphore, #tpu.memory_space<semaphore_mem>>, %arg11: memref<!tpu.dma_semaphore, #tpu.memory_space<semaphore_mem>>) attributes {dimension_semantics = [#tpu.dimension_semantics<core_parallel>, #tpu.dimension_semantics<subcore_parallel>], iteration_bounds = array<i64: 2, 16>, scalar_prefetch = 0 : i64, scratch_operands = 6 : i64, tpu.core_type = #tpu.core_type<sc_vector_subcore>, window_params = [{transform_indices = #map}, {transform_indices = #map1}, {transform_indices = #map1}, {transform_indices = #map1}]} {
    %mul3A = arith.constant 632 : i32
    %mul3A_0 = arith.muli %arg1, %mul3A : i32
    "tpu.region"() ({
      %run_scoped3A = tpu.sem_alloc : memref<!tpu.dma_semaphore, #tpu.memory_space<semaphore_mem>>
      %dma_start3A_32 = arith.constant 0 : i32
      %dma_start3A_33 = tpu.memref_slice %arg9[%mul3A_0, %dma_start3A_32] : memref<10112x128xf32, #tpu.memory_space<vmem_shared>> -> memref<632x128xf32, #tpu.memory_space<vmem_shared>>
      tpu.enqueue_dma source(%arg3 : memref<632x128xf32, #tpu.memory_space<hbm>>) target(%dma_start3A_33 : memref<632x128xf32, #tpu.memory_space<vmem_shared>>) target_semaphore(%run_scoped3A : memref<!tpu.dma_semaphore, #tpu.memory_space<semaphore_mem>>)
      %dma_wait3A_34 = arith.constant 0 : i32
      %dma_wait3A_35 = tpu.memref_slice %arg9[%mul3A_0, %dma_wait3A_34] : memref<10112x128xf32, #tpu.memory_space<vmem_shared>> -> memref<632x128xf32, #tpu.memory_space<vmem_shared>>
      tpu.wait_dma2 semaphore(%run_scoped3A : memref<!tpu.dma_semaphore, #tpu.memory_space<semaphore_mem>>) src(%arg3 : memref<632x128xf32, #tpu.memory_space<hbm>>) dst(%dma_wait3A_35 : memref<632x128xf32, #tpu.memory_space<vmem_shared>>)
      tpu.yield
    }) : () -> ()
    "tpu.region"() ({
      %run_scoped3A = tpu.sem_alloc : memref<!tpu.dma_semaphore, #tpu.memory_space<semaphore_mem>>
      tpu.enqueue_dma source(%arg4 : memref<128x128xf32, #tpu.memory_space<hbm>>) target(%arg8 : memref<128x128xf32, #tpu.memory_space<vmem>>) target_semaphore(%run_scoped3A : memref<!tpu.dma_semaphore, #tpu.memory_space<semaphore_mem>>)
      tpu.wait_dma2 semaphore(%run_scoped3A : memref<!tpu.dma_semaphore, #tpu.memory_space<semaphore_mem>>) src(%arg4 : memref<128x128xf32, #tpu.memory_space<hbm>>) dst(%arg8 : memref<128x128xf32, #tpu.memory_space<vmem>>)
      tpu.yield
    }) : () -> ()
    %barrier3A = arith.constant 0 : index
    tpu.barrier barrier_id(%barrier3A)
    %mul3A_1 = arith.constant 161792 : i32
    %mul3A_2 = arith.muli %arg0, %mul3A_1 : i32
    %mul3A_3 = arith.constant 10112 : i32
    %mul3A_4 = arith.muli %arg1, %mul3A_3 : i32
    %add3A = arith.addi %mul3A_2, %mul3A_4 : i32
    %add3A_5 = arith.constant 0 : i32
    %add3A_6 = arith.addi %add3A, %add3A_5 : i32
    %dma_start3A = tpu.memref_slice %arg2[%add3A_6] : memref<323840xi32, #tpu.memory_space<hbm>> -> memref<128xi32, #tpu.memory_space<hbm>>
    %dma_start3A_7 = tpu.memref_slice %arg2[%add3A_6] : memref<323840xi32, #tpu.memory_space<hbm>> -> memref<128xi32, #tpu.memory_space<hbm>>
    tpu.enqueue_dma source(%dma_start3A_7 : memref<128xi32, #tpu.memory_space<hbm>>) target(%arg6 : memref<128xi32, #tpu.memory_space<vmem>>) target_semaphore(%arg10 : memref<!tpu.dma_semaphore, #tpu.memory_space<semaphore_mem>>)
    %add3A_8 = arith.constant 128 : i32
    %add3A_9 = arith.addi %add3A, %add3A_8 : i32
    %dma_start3A_10 = tpu.memref_slice %arg2[%add3A_9] : memref<323840xi32, #tpu.memory_space<hbm>> -> memref<128xi32, #tpu.memory_space<hbm>>
    %dma_start3A_11 = tpu.memref_slice %arg2[%add3A_9] : memref<323840xi32, #tpu.memory_space<hbm>> -> memref<128xi32, #tpu.memory_space<hbm>>
    tpu.enqueue_dma source(%dma_start3A_11 : memref<128xi32, #tpu.memory_space<hbm>>) target(%arg7 : memref<128xi32, #tpu.memory_space<vmem>>) target_semaphore(%arg11 : memref<!tpu.dma_semaphore, #tpu.memory_space<semaphore_mem>>)
    %scan3A = arith.constant 0 : i32
    %scan3A_12 = arith.constant 0 : i32
    %scan3A_13 = arith.constant 39 : i32
    %scan3A_14 = arith.addi %scan3A_12, %scan3A_13 : i32
    %scan3A_15 = arith.constant 1 : i32
    scf.for %scan3A_32 = %scan3A_12 to %scan3A_14 step %scan3A_15  : i32 {
      %mul3A_33 = arith.constant 2 : i32
      %mul3A_34 = arith.muli %scan3A_32, %mul3A_33 : i32
      %dma_wait3A_35 = arith.constant 0 : i32
      %dma_wait3A_36 = tpu.memref_slice %arg2[%dma_wait3A_35] : memref<323840xi32, #tpu.memory_space<hbm>> -> memref<128xi32, #tpu.memory_space<hbm>>
      %dma_wait3A_37 = arith.constant 0 : i32
      %dma_wait3A_38 = tpu.memref_slice %arg2[%dma_wait3A_37] : memref<323840xi32, #tpu.memory_space<hbm>> -> memref<128xi32, #tpu.memory_space<hbm>>
      tpu.wait_dma2 semaphore(%arg10 : memref<!tpu.dma_semaphore, #tpu.memory_space<semaphore_mem>>) src(%dma_wait3A_38 : memref<128xi32, #tpu.memory_space<hbm>>) dst(%arg6 : memref<128xi32, #tpu.memory_space<vmem>>)
      "tpu.region"() ({
        %run_scoped3A = tpu.sem_alloc : memref<!tpu.dma_semaphore, #tpu.memory_space<semaphore_mem>>
        %dma_start3A_57 = arith.constant 0 : i32
        %dma_start3A_58 = arith.constant 0 : i32
        %dma_start3A_59 = tpu.memref_slice %arg9[%dma_start3A_57, %dma_start3A_58] : memref<10112x128xf32, #tpu.memory_space<vmem_shared>> -> memref<10112x128xf32, #tpu.memory_space<vmem_shared>>
        tpu.enqueue_indirect_dma source(%arg8 : memref<128x128xf32, #tpu.memory_space<vmem>>) target(%dma_start3A_59 : memref<10112x128xf32, #tpu.memory_space<vmem_shared>>) offsets(%arg6 : memref<128xi32, #tpu.memory_space<vmem>>) semaphore(%run_scoped3A : memref<!tpu.dma_semaphore, #tpu.memory_space<semaphore_mem>>) {add = true}
        %dma_wait3A_60 = arith.constant 0 : i32
        %dma_wait3A_61 = arith.constant 0 : i32
        %dma_wait3A_62 = tpu.memref_slice %arg9[%dma_wait3A_60, %dma_wait3A_61] : memref<10112x128xf32, #tpu.memory_space<vmem_shared>> -> memref<10112x128xf32, #tpu.memory_space<vmem_shared>>
        tpu.wait_indirect_dma semaphore(%run_scoped3A : memref<!tpu.dma_semaphore, #tpu.memory_space<semaphore_mem>>) src(%arg8 : memref<128x128xf32, #tpu.memory_space<vmem>>) dst(%dma_wait3A_62 : memref<10112x128xf32, #tpu.memory_space<vmem_shared>>)
        tpu.yield
      }) : () -> ()
      %add3A_39 = arith.constant 2 : i32
      %add3A_40 = arith.addi %mul3A_34, %add3A_39 : i32
      %mul3A_41 = arith.constant 128 : i32
      %mul3A_42 = arith.muli %add3A_40, %mul3A_41 : i32
      %add3A_43 = arith.addi %add3A, %mul3A_42 : i32
      %dma_start3A_44 = tpu.memref_slice %arg2[%add3A_43] : memref<323840xi32, #tpu.memory_space<hbm>> -> memref<128xi32, #tpu.memory_space<hbm>>
      %dma_start3A_45 = tpu.memref_slice %arg2[%add3A_43] : memref<323840xi32, #tpu.memory_space<hbm>> -> memref<128xi32, #tpu.memory_space<hbm>>
      tpu.enqueue_dma source(%dma_start3A_45 : memref<128xi32, #tpu.memory_space<hbm>>) target(%arg6 : memref<128xi32, #tpu.memory_space<vmem>>) target_semaphore(%arg10 : memref<!tpu.dma_semaphore, #tpu.memory_space<semaphore_mem>>)
      %dma_wait3A_46 = arith.constant 0 : i32
      %dma_wait3A_47 = tpu.memref_slice %arg2[%dma_wait3A_46] : memref<323840xi32, #tpu.memory_space<hbm>> -> memref<128xi32, #tpu.memory_space<hbm>>
      %dma_wait3A_48 = arith.constant 0 : i32
      %dma_wait3A_49 = tpu.memref_slice %arg2[%dma_wait3A_48] : memref<323840xi32, #tpu.memory_space<hbm>> -> memref<128xi32, #tpu.memory_space<hbm>>
      tpu.wait_dma2 semaphore(%arg11 : memref<!tpu.dma_semaphore, #tpu.memory_space<semaphore_mem>>) src(%dma_wait3A_49 : memref<128xi32, #tpu.memory_space<hbm>>) dst(%arg7 : memref<128xi32, #tpu.memory_space<vmem>>)
      "tpu.region"() ({
        %run_scoped3A = tpu.sem_alloc : memref<!tpu.dma_semaphore, #tpu.memory_space<semaphore_mem>>
        %dma_start3A_57 = arith.constant 0 : i32
        %dma_start3A_58 = arith.constant 0 : i32
        %dma_start3A_59 = tpu.memref_slice %arg9[%dma_start3A_57, %dma_start3A_58] : memref<10112x128xf32, #tpu.memory_space<vmem_shared>> -> memref<10112x128xf32, #tpu.memory_space<vmem_shared>>
        tpu.enqueue_indirect_dma source(%arg8 : memref<128x128xf32, #tpu.memory_space<vmem>>) target(%dma_start3A_59 : memref<10112x128xf32, #tpu.memory_space<vmem_shared>>) offsets(%arg7 : memref<128xi32, #tpu.memory_space<vmem>>) semaphore(%run_scoped3A : memref<!tpu.dma_semaphore, #tpu.memory_space<semaphore_mem>>) {add = true}
        %dma_wait3A_60 = arith.constant 0 : i32
        %dma_wait3A_61 = arith.constant 0 : i32
        %dma_wait3A_62 = tpu.memref_slice %arg9[%dma_wait3A_60, %dma_wait3A_61] : memref<10112x128xf32, #tpu.memory_space<vmem_shared>> -> memref<10112x128xf32, #tpu.memory_space<vmem_shared>>
        tpu.wait_indirect_dma semaphore(%run_scoped3A : memref<!tpu.dma_semaphore, #tpu.memory_space<semaphore_mem>>) src(%arg8 : memref<128x128xf32, #tpu.memory_space<vmem>>) dst(%dma_wait3A_62 : memref<10112x128xf32, #tpu.memory_space<vmem_shared>>)
        tpu.yield
      }) : () -> ()
      %add3A_50 = arith.constant 3 : i32
      %add3A_51 = arith.addi %mul3A_34, %add3A_50 : i32
      %mul3A_52 = arith.constant 128 : i32
      %mul3A_53 = arith.muli %add3A_51, %mul3A_52 : i32
      %add3A_54 = arith.addi %add3A, %mul3A_53 : i32
      %dma_start3A_55 = tpu.memref_slice %arg2[%add3A_54] : memref<323840xi32, #tpu.memory_space<hbm>> -> memref<128xi32, #tpu.memory_space<hbm>>
      %dma_start3A_56 = tpu.memref_slice %arg2[%add3A_54] : memref<323840xi32, #tpu.memory_space<hbm>> -> memref<128xi32, #tpu.memory_space<hbm>>
      tpu.enqueue_dma source(%dma_start3A_56 : memref<128xi32, #tpu.memory_space<hbm>>) target(%arg7 : memref<128xi32, #tpu.memory_space<vmem>>) target_semaphore(%arg11 : memref<!tpu.dma_semaphore, #tpu.memory_space<semaphore_mem>>)
    }
    %scan3A_16 = arith.constant 39 : i32
    %dma_wait3A = arith.constant 0 : i32
    %dma_wait3A_17 = tpu.memref_slice %arg2[%dma_wait3A] : memref<323840xi32, #tpu.memory_space<hbm>> -> memref<128xi32, #tpu.memory_space<hbm>>
    %dma_wait3A_18 = arith.constant 0 : i32
    %dma_wait3A_19 = tpu.memref_slice %arg2[%dma_wait3A_18] : memref<323840xi32, #tpu.memory_space<hbm>> -> memref<128xi32, #tpu.memory_space<hbm>>
    tpu.wait_dma2 semaphore(%arg10 : memref<!tpu.dma_semaphore, #tpu.memory_space<semaphore_mem>>) src(%dma_wait3A_19 : memref<128xi32, #tpu.memory_space<hbm>>) dst(%arg6 : memref<128xi32, #tpu.memory_space<vmem>>)
    "tpu.region"() ({
      %run_scoped3A = tpu.sem_alloc : memref<!tpu.dma_semaphore, #tpu.memory_space<semaphore_mem>>
      %dma_start3A_32 = arith.constant 0 : i32
      %dma_start3A_33 = arith.constant 0 : i32
      %dma_start3A_34 = tpu.memref_slice %arg9[%dma_start3A_32, %dma_start3A_33] : memref<10112x128xf32, #tpu.memory_space<vmem_shared>> -> memref<10112x128xf32, #tpu.memory_space<vmem_shared>>
      tpu.enqueue_indirect_dma source(%arg8 : memref<128x128xf32, #tpu.memory_space<vmem>>) target(%dma_start3A_34 : memref<10112x128xf32, #tpu.memory_space<vmem_shared>>) offsets(%arg6 : memref<128xi32, #tpu.memory_space<vmem>>) semaphore(%run_scoped3A : memref<!tpu.dma_semaphore, #tpu.memory_space<semaphore_mem>>) {add = true}
      %dma_wait3A_35 = arith.constant 0 : i32
      %dma_wait3A_36 = arith.constant 0 : i32
      %dma_wait3A_37 = tpu.memref_slice %arg9[%dma_wait3A_35, %dma_wait3A_36] : memref<10112x128xf32, #tpu.memory_space<vmem_shared>> -> memref<10112x128xf32, #tpu.memory_space<vmem_shared>>
      tpu.wait_indirect_dma semaphore(%run_scoped3A : memref<!tpu.dma_semaphore, #tpu.memory_space<semaphore_mem>>) src(%arg8 : memref<128x128xf32, #tpu.memory_space<vmem>>) dst(%dma_wait3A_37 : memref<10112x128xf32, #tpu.memory_space<vmem_shared>>)
      tpu.yield
    }) : () -> ()
    %dma_wait3A_20 = arith.constant 0 : i32
    %dma_wait3A_21 = tpu.memref_slice %arg2[%dma_wait3A_20] : memref<323840xi32, #tpu.memory_space<hbm>> -> memref<128xi32, #tpu.memory_space<hbm>>
    %dma_wait3A_22 = arith.constant 0 : i32
    %dma_wait3A_23 = tpu.memref_slice %arg2[%dma_wait3A_22] : memref<323840xi32, #tpu.memory_space<hbm>> -> memref<128xi32, #tpu.memory_space<hbm>>
    tpu.wait_dma2 semaphore(%arg11 : memref<!tpu.dma_semaphore, #tpu.memory_space<semaphore_mem>>) src(%dma_wait3A_23 : memref<128xi32, #tpu.memory_space<hbm>>) dst(%arg7 : memref<128xi32, #tpu.memory_space<vmem>>)
    %barrier3A_24 = arith.constant 0 : index
    tpu.barrier barrier_id(%barrier3A_24)
    %mul3A_25 = arith.constant 632 : i32
    %mul3A_26 = arith.muli %arg1, %mul3A_25 : i32
    %mul3A_27 = arith.constant 10112 : i32
    %mul3A_28 = arith.muli %arg0, %mul3A_27 : i32
    %mul3A_29 = arith.constant 632 : i32
    %mul3A_30 = arith.muli %arg1, %mul3A_29 : i32
    %add3A_31 = arith.addi %mul3A_28, %mul3A_30 : i32
    "tpu.region"() ({
      %run_scoped3A = tpu.sem_alloc : memref<!tpu.dma_semaphore, #tpu.memory_space<semaphore_mem>>
      %dma_start3A_32 = arith.constant 0 : i32
      %dma_start3A_33 = tpu.memref_slice %arg5[%add3A_31, %dma_start3A_32] : memref<20224x128xf32, #tpu.memory_space<hbm>> -> memref<632x128xf32, #tpu.memory_space<hbm>>
      %dma_start3A_34 = arith.constant 0 : i32
      %dma_start3A_35 = tpu.memref_slice %arg9[%mul3A_26, %dma_start3A_34] : memref<10112x128xf32, #tpu.memory_space<vmem_shared>> -> memref<632x128xf32, #tpu.memory_space<vmem_shared>>
      tpu.enqueue_dma source(%dma_start3A_35 : memref<632x128xf32, #tpu.memory_space<vmem_shared>>) target(%dma_start3A_33 : memref<632x128xf32, #tpu.memory_space<hbm>>) target_semaphore(%run_scoped3A : memref<!tpu.dma_semaphore, #tpu.memory_space<semaphore_mem>>)
      %dma_wait3A_36 = arith.constant 0 : i32
      %dma_wait3A_37 = tpu.memref_slice %arg5[%add3A_31, %dma_wait3A_36] : memref<20224x128xf32, #tpu.memory_space<hbm>> -> memref<632x128xf32, #tpu.memory_space<hbm>>
      %dma_wait3A_38 = arith.constant 0 : i32
      %dma_wait3A_39 = tpu.memref_slice %arg9[%mul3A_26, %dma_wait3A_38] : memref<10112x128xf32, #tpu.memory_space<vmem_shared>> -> memref<632x128xf32, #tpu.memory_space<vmem_shared>>
      tpu.wait_dma2 semaphore(%run_scoped3A : memref<!tpu.dma_semaphore, #tpu.memory_space<semaphore_mem>>) src(%dma_wait3A_39 : memref<632x128xf32, #tpu.memory_space<vmem_shared>>) dst(%dma_wait3A_37 : memref<632x128xf32, #tpu.memory_space<hbm>>)
      tpu.yield
    }) : () -> ()
    return
  }
}

#map = affine_map<(d0, d1) -> (0, 0)>
#map1 = affine_map<(d0, d1) -> (0)>
module attributes {stable_mosaic.version = 14 : i64} {
  func.func @agg(%arg0: i32, %arg1: i32, %arg2: memref<20224x128xf32, #tpu.memory_space<hbm>>, %arg3: memref<323712xi32, #tpu.memory_space<hbm>>, %arg4: memref<161920xi32, #tpu.memory_space<hbm>>, %arg5: memref<632x128xf32, #tpu.memory_space<hbm>>, %arg6: memref<20224x128xf32, #tpu.memory_space<hbm>>, %arg7: memref<10240xi32, #tpu.memory_space<vmem>>, %arg8: memref<128xi32, #tpu.memory_space<vmem>>, %arg9: memref<128xi32, #tpu.memory_space<vmem>>, %arg10: memref<128xi32, #tpu.memory_space<vmem>>, %arg11: memref<128xi32, #tpu.memory_space<vmem>>, %arg12: memref<128x128xf32, #tpu.memory_space<vmem>>, %arg13: memref<128x128xf32, #tpu.memory_space<vmem>>, %arg14: memref<10112x128xf32, #tpu.memory_space<vmem_shared>>, %arg15: memref<!tpu.dma_semaphore, #tpu.memory_space<semaphore_mem>>, %arg16: memref<!tpu.dma_semaphore, #tpu.memory_space<semaphore_mem>>, %arg17: memref<!tpu.dma_semaphore, #tpu.memory_space<semaphore_mem>>, %arg18: memref<!tpu.dma_semaphore, #tpu.memory_space<semaphore_mem>>, %arg19: memref<!tpu.dma_semaphore, #tpu.memory_space<semaphore_mem>>, %arg20: memref<!tpu.dma_semaphore, #tpu.memory_space<semaphore_mem>>) attributes {dimension_semantics = [#tpu.dimension_semantics<core_parallel>, #tpu.dimension_semantics<subcore_parallel>], iteration_bounds = array<i64: 2, 16>, scalar_prefetch = 0 : i64, scratch_operands = 14 : i64, tpu.core_type = #tpu.core_type<sc_vector_subcore>, window_params = [{transform_indices = #map}, {transform_indices = #map1}, {transform_indices = #map1}, {transform_indices = #map}, {transform_indices = #map}]} {
    %mul3A = arith.constant 161792 : i32
    %mul3A_0 = arith.muli %arg0, %mul3A : i32
    %mul3A_1 = arith.constant 10112 : i32
    %mul3A_2 = arith.muli %arg1, %mul3A_1 : i32
    %add3A = arith.addi %mul3A_0, %mul3A_2 : i32
    %mul3A_3 = arith.constant 10112 : i32
    %mul3A_4 = arith.muli %arg1, %mul3A_3 : i32
    "tpu.region"() ({
      %run_scoped3A = tpu.sem_alloc : memref<!tpu.dma_semaphore, #tpu.memory_space<semaphore_mem>>
      %dma_start3A_92 = tpu.memref_slice %arg3[%add3A] : memref<323712xi32, #tpu.memory_space<hbm>> -> memref<10240xi32, #tpu.memory_space<hbm>>
      %dma_start3A_93 = tpu.memref_slice %arg3[%add3A] : memref<323712xi32, #tpu.memory_space<hbm>> -> memref<10240xi32, #tpu.memory_space<hbm>>
      tpu.enqueue_dma source(%dma_start3A_93 : memref<10240xi32, #tpu.memory_space<hbm>>) target(%arg7 : memref<10240xi32, #tpu.memory_space<vmem>>) target_semaphore(%run_scoped3A : memref<!tpu.dma_semaphore, #tpu.memory_space<semaphore_mem>>)
      %dma_wait3A_94 = tpu.memref_slice %arg3[%add3A] : memref<323712xi32, #tpu.memory_space<hbm>> -> memref<10240xi32, #tpu.memory_space<hbm>>
      %dma_wait3A_95 = tpu.memref_slice %arg3[%add3A] : memref<323712xi32, #tpu.memory_space<hbm>> -> memref<10240xi32, #tpu.memory_space<hbm>>
      tpu.wait_dma2 semaphore(%run_scoped3A : memref<!tpu.dma_semaphore, #tpu.memory_space<semaphore_mem>>) src(%dma_wait3A_95 : memref<10240xi32, #tpu.memory_space<hbm>>) dst(%arg7 : memref<10240xi32, #tpu.memory_space<vmem>>)
      tpu.yield
    }) : () -> ()
    %mul3A_5 = arith.constant 632 : i32
    %mul3A_6 = arith.muli %arg1, %mul3A_5 : i32
    "tpu.region"() ({
      %run_scoped3A = tpu.sem_alloc : memref<!tpu.dma_semaphore, #tpu.memory_space<semaphore_mem>>
      %dma_start3A_92 = arith.constant 0 : i32
      %dma_start3A_93 = tpu.memref_slice %arg14[%mul3A_6, %dma_start3A_92] : memref<10112x128xf32, #tpu.memory_space<vmem_shared>> -> memref<632x128xf32, #tpu.memory_space<vmem_shared>>
      tpu.enqueue_dma source(%arg5 : memref<632x128xf32, #tpu.memory_space<hbm>>) target(%dma_start3A_93 : memref<632x128xf32, #tpu.memory_space<vmem_shared>>) target_semaphore(%run_scoped3A : memref<!tpu.dma_semaphore, #tpu.memory_space<semaphore_mem>>)
      %dma_wait3A_94 = arith.constant 0 : i32
      %dma_wait3A_95 = tpu.memref_slice %arg14[%mul3A_6, %dma_wait3A_94] : memref<10112x128xf32, #tpu.memory_space<vmem_shared>> -> memref<632x128xf32, #tpu.memory_space<vmem_shared>>
      tpu.wait_dma2 semaphore(%run_scoped3A : memref<!tpu.dma_semaphore, #tpu.memory_space<semaphore_mem>>) src(%arg5 : memref<632x128xf32, #tpu.memory_space<hbm>>) dst(%dma_wait3A_95 : memref<632x128xf32, #tpu.memory_space<vmem_shared>>)
      tpu.yield
    }) : () -> ()
    %barrier3A = arith.constant 0 : index
    tpu.barrier barrier_id(%barrier3A)
    %get3A = arith.constant 0 : index
    %get3A_7 = tpu.vector_load %arg7[%get3A] {strides = array<i32>} : memref<10240xi32, #tpu.memory_space<vmem>>, vector<16xi32>,
    %get3A_8 = vector.shape_cast %get3A_7 : vector<16xi32> to vector<16xi32>
    %swap3A = arith.constant 0 : index
    %swap3A_9 = tpu.vector_load %arg8[%swap3A] {strides = array<i32>} : memref<128xi32, #tpu.memory_space<vmem>>, vector<16xi32>,
    %swap3A_10 = vector.shape_cast %swap3A_9 : vector<16xi32> to vector<16xi32>
    %swap3A_11 = vector.shape_cast %get3A_8 : vector<16xi32> to vector<16xi32>
    tpu.vector_store %arg8[%swap3A], %swap3A_11 {strides = array<i32>} : memref<128xi32, #tpu.memory_space<vmem>>, vector<16xi32>,
    %get3A_12 = arith.constant 16 : index
    %get3A_13 = tpu.vector_load %arg7[%get3A_12] {strides = array<i32>} : memref<10240xi32, #tpu.memory_space<vmem>>, vector<16xi32>,
    %get3A_14 = vector.shape_cast %get3A_13 : vector<16xi32> to vector<16xi32>
    %swap3A_15 = arith.constant 16 : index
    %swap3A_16 = tpu.vector_load %arg8[%swap3A_15] {strides = array<i32>} : memref<128xi32, #tpu.memory_space<vmem>>, vector<16xi32>,
    %swap3A_17 = vector.shape_cast %swap3A_16 : vector<16xi32> to vector<16xi32>
    %swap3A_18 = vector.shape_cast %get3A_14 : vector<16xi32> to vector<16xi32>
    tpu.vector_store %arg8[%swap3A_15], %swap3A_18 {strides = array<i32>} : memref<128xi32, #tpu.memory_space<vmem>>, vector<16xi32>,
    %get3A_19 = arith.constant 32 : index
    %get3A_20 = tpu.vector_load %arg7[%get3A_19] {strides = array<i32>} : memref<10240xi32, #tpu.memory_space<vmem>>, vector<16xi32>,
    %get3A_21 = vector.shape_cast %get3A_20 : vector<16xi32> to vector<16xi32>
    %swap3A_22 = arith.constant 32 : index
    %swap3A_23 = tpu.vector_load %arg8[%swap3A_22] {strides = array<i32>} : memref<128xi32, #tpu.memory_space<vmem>>, vector<16xi32>,
    %swap3A_24 = vector.shape_cast %swap3A_23 : vector<16xi32> to vector<16xi32>
    %swap3A_25 = vector.shape_cast %get3A_21 : vector<16xi32> to vector<16xi32>
    tpu.vector_store %arg8[%swap3A_22], %swap3A_25 {strides = array<i32>} : memref<128xi32, #tpu.memory_space<vmem>>, vector<16xi32>,
    %get3A_26 = arith.constant 48 : index
    %get3A_27 = tpu.vector_load %arg7[%get3A_26] {strides = array<i32>} : memref<10240xi32, #tpu.memory_space<vmem>>, vector<16xi32>,
    %get3A_28 = vector.shape_cast %get3A_27 : vector<16xi32> to vector<16xi32>
    %swap3A_29 = arith.constant 48 : index
    %swap3A_30 = tpu.vector_load %arg8[%swap3A_29] {strides = array<i32>} : memref<128xi32, #tpu.memory_space<vmem>>, vector<16xi32>,
    %swap3A_31 = vector.shape_cast %swap3A_30 : vector<16xi32> to vector<16xi32>
    %swap3A_32 = vector.shape_cast %get3A_28 : vector<16xi32> to vector<16xi32>
    tpu.vector_store %arg8[%swap3A_29], %swap3A_32 {strides = array<i32>} : memref<128xi32, #tpu.memory_space<vmem>>, vector<16xi32>,
    %get3A_33 = arith.constant 64 : index
    %get3A_34 = tpu.vector_load %arg7[%get3A_33] {strides = array<i32>} : memref<10240xi32, #tpu.memory_space<vmem>>, vector<16xi32>,
    %get3A_35 = vector.shape_cast %get3A_34 : vector<16xi32> to vector<16xi32>
    %swap3A_36 = arith.constant 64 : index
    %swap3A_37 = tpu.vector_load %arg8[%swap3A_36] {strides = array<i32>} : memref<128xi32, #tpu.memory_space<vmem>>, vector<16xi32>,
    %swap3A_38 = vector.shape_cast %swap3A_37 : vector<16xi32> to vector<16xi32>
    %swap3A_39 = vector.shape_cast %get3A_35 : vector<16xi32> to vector<16xi32>
    tpu.vector_store %arg8[%swap3A_36], %swap3A_39 {strides = array<i32>} : memref<128xi32, #tpu.memory_space<vmem>>, vector<16xi32>,
    %get3A_40 = arith.constant 80 : index
    %get3A_41 = tpu.vector_load %arg7[%get3A_40] {strides = array<i32>} : memref<10240xi32, #tpu.memory_space<vmem>>, vector<16xi32>,
    %get3A_42 = vector.shape_cast %get3A_41 : vector<16xi32> to vector<16xi32>
    %swap3A_43 = arith.constant 80 : index
    %swap3A_44 = tpu.vector_load %arg8[%swap3A_43] {strides = array<i32>} : memref<128xi32, #tpu.memory_space<vmem>>, vector<16xi32>,
    %swap3A_45 = vector.shape_cast %swap3A_44 : vector<16xi32> to vector<16xi32>
    %swap3A_46 = vector.shape_cast %get3A_42 : vector<16xi32> to vector<16xi32>
    tpu.vector_store %arg8[%swap3A_43], %swap3A_46 {strides = array<i32>} : memref<128xi32, #tpu.memory_space<vmem>>, vector<16xi32>,
    %get3A_47 = arith.constant 96 : index
    %get3A_48 = tpu.vector_load %arg7[%get3A_47] {strides = array<i32>} : memref<10240xi32, #tpu.memory_space<vmem>>, vector<16xi32>,
    %get3A_49 = vector.shape_cast %get3A_48 : vector<16xi32> to vector<16xi32>
    %swap3A_50 = arith.constant 96 : index
    %swap3A_51 = tpu.vector_load %arg8[%swap3A_50] {strides = array<i32>} : memref<128xi32, #tpu.memory_space<vmem>>, vector<16xi32>,
    %swap3A_52 = vector.shape_cast %swap3A_51 : vector<16xi32> to vector<16xi32>
    %swap3A_53 = vector.shape_cast %get3A_49 : vector<16xi32> to vector<16xi32>
    tpu.vector_store %arg8[%swap3A_50], %swap3A_53 {strides = array<i32>} : memref<128xi32, #tpu.memory_space<vmem>>, vector<16xi32>,
    %get3A_54 = arith.constant 112 : index
    %get3A_55 = tpu.vector_load %arg7[%get3A_54] {strides = array<i32>} : memref<10240xi32, #tpu.memory_space<vmem>>, vector<16xi32>,
    %get3A_56 = vector.shape_cast %get3A_55 : vector<16xi32> to vector<16xi32>
    %swap3A_57 = arith.constant 112 : index
    %swap3A_58 = tpu.vector_load %arg8[%swap3A_57] {strides = array<i32>} : memref<128xi32, #tpu.memory_space<vmem>>, vector<16xi32>,
    %swap3A_59 = vector.shape_cast %swap3A_58 : vector<16xi32> to vector<16xi32>
    %swap3A_60 = vector.shape_cast %get3A_56 : vector<16xi32> to vector<16xi32>
    tpu.vector_store %arg8[%swap3A_57], %swap3A_60 {strides = array<i32>} : memref<128xi32, #tpu.memory_space<vmem>>, vector<16xi32>,
    %add3A_61 = arith.constant 0 : i32
    %add3A_62 = arith.addi %mul3A_4, %add3A_61 : i32
    %dma_start3A = tpu.memref_slice %arg4[%add3A_62] : memref<161920xi32, #tpu.memory_space<hbm>> -> memref<128xi32, #tpu.memory_space<hbm>>
    %dma_start3A_63 = tpu.memref_slice %arg4[%add3A_62] : memref<161920xi32, #tpu.memory_space<hbm>> -> memref<128xi32, #tpu.memory_space<hbm>>
    tpu.enqueue_dma source(%dma_start3A_63 : memref<128xi32, #tpu.memory_space<hbm>>) target(%arg10 : memref<128xi32, #tpu.memory_space<vmem>>) target_semaphore(%arg17 : memref<!tpu.dma_semaphore, #tpu.memory_space<semaphore_mem>>)
    %dma_start3A_64 = arith.constant 0 : i32
    %dma_start3A_65 = arith.constant 0 : i32
    %dma_start3A_66 = tpu.memref_slice %arg2[%dma_start3A_64, %dma_start3A_65] : memref<20224x128xf32, #tpu.memory_space<hbm>> -> memref<20224x128xf32, #tpu.memory_space<hbm>>
    tpu.enqueue_indirect_dma source(%dma_start3A_66 : memref<20224x128xf32, #tpu.memory_space<hbm>>) target(%arg12 : memref<128x128xf32, #tpu.memory_space<vmem>>) offsets(%arg8 : memref<128xi32, #tpu.memory_space<vmem>>) semaphore(%arg15 : memref<!tpu.dma_semaphore, #tpu.memory_space<semaphore_mem>>)
    %scan3A = arith.constant 0 : i32
    %scan3A_67 = arith.constant 0 : i32
    %scan3A_68 = arith.constant 39 : i32
    %scan3A_69 = arith.addi %scan3A_67, %scan3A_68 : i32
    %scan3A_70 = arith.constant 1 : i32
    scf.for %scan3A_92 = %scan3A_67 to %scan3A_69 step %scan3A_70  : i32 {
      %mul3A_93 = arith.constant 2 : i32
      %mul3A_94 = arith.muli %scan3A_92, %mul3A_93 : i32
      %dma_wait3A_95 = arith.constant 0 : i32
      %dma_wait3A_96 = arith.constant 0 : i32
      %dma_wait3A_97 = tpu.memref_slice %arg2[%dma_wait3A_95, %dma_wait3A_96] : memref<20224x128xf32, #tpu.memory_space<hbm>> -> memref<20224x128xf32, #tpu.memory_space<hbm>>
      tpu.wait_indirect_dma semaphore(%arg15 : memref<!tpu.dma_semaphore, #tpu.memory_space<semaphore_mem>>) src(%dma_wait3A_97 : memref<20224x128xf32, #tpu.memory_space<hbm>>) dst(%arg12 : memref<128x128xf32, #tpu.memory_space<vmem>>)
      %dma_wait3A_98 = arith.constant 0 : i32
      %dma_wait3A_99 = tpu.memref_slice %arg4[%dma_wait3A_98] : memref<161920xi32, #tpu.memory_space<hbm>> -> memref<128xi32, #tpu.memory_space<hbm>>
      %dma_wait3A_100 = arith.constant 0 : i32
      %dma_wait3A_101 = tpu.memref_slice %arg4[%dma_wait3A_100] : memref<161920xi32, #tpu.memory_space<hbm>> -> memref<128xi32, #tpu.memory_space<hbm>>
      tpu.wait_dma2 semaphore(%arg17 : memref<!tpu.dma_semaphore, #tpu.memory_space<semaphore_mem>>) src(%dma_wait3A_101 : memref<128xi32, #tpu.memory_space<hbm>>) dst(%arg10 : memref<128xi32, #tpu.memory_space<vmem>>)
      %dma_start3A_102 = arith.constant 0 : i32
      %dma_start3A_103 = arith.constant 0 : i32
      %dma_start3A_104 = tpu.memref_slice %arg14[%dma_start3A_102, %dma_start3A_103] : memref<10112x128xf32, #tpu.memory_space<vmem_shared>> -> memref<10112x128xf32, #tpu.memory_space<vmem_shared>>
      tpu.enqueue_indirect_dma source(%arg12 : memref<128x128xf32, #tpu.memory_space<vmem>>) target(%dma_start3A_104 : memref<10112x128xf32, #tpu.memory_space<vmem_shared>>) offsets(%arg10 : memref<128xi32, #tpu.memory_space<vmem>>) semaphore(%arg19 : memref<!tpu.dma_semaphore, #tpu.memory_space<semaphore_mem>>) {add = true}
      %add3A_105 = arith.constant 1 : i32
      %add3A_106 = arith.addi %mul3A_94, %add3A_105 : i32
      %mul3A_107 = arith.constant 128 : i32
      %mul3A_108 = arith.muli %add3A_106, %mul3A_107 : i32
      %add3A_109 = arith.constant 0 : i32
      %add3A_110 = arith.addi %mul3A_108, %add3A_109 : i32
      %get3A_111 = arith.index_cast %add3A_110 : i32 to index
      %get3A_112 = tpu.vector_load %arg7[%get3A_111] {strides = array<i32>} : memref<10240xi32, #tpu.memory_space<vmem>>, vector<16xi32>,
      %get3A_113 = vector.shape_cast %get3A_112 : vector<16xi32> to vector<16xi32>
      %swap3A_114 = arith.constant 0 : index
      %swap3A_115 = tpu.vector_load %arg9[%swap3A_114] {strides = array<i32>} : memref<128xi32, #tpu.memory_space<vmem>>, vector<16xi32>,
      %swap3A_116 = vector.shape_cast %swap3A_115 : vector<16xi32> to vector<16xi32>
      %swap3A_117 = vector.shape_cast %get3A_113 : vector<16xi32> to vector<16xi32>
      tpu.vector_store %arg9[%swap3A_114], %swap3A_117 {strides = array<i32>} : memref<128xi32, #tpu.memory_space<vmem>>, vector<16xi32>,
      %add3A_118 = arith.constant 16 : i32
      %add3A_119 = arith.addi %mul3A_108, %add3A_118 : i32
      %get3A_120 = arith.index_cast %add3A_119 : i32 to index
      %get3A_121 = tpu.vector_load %arg7[%get3A_120] {strides = array<i32>} : memref<10240xi32, #tpu.memory_space<vmem>>, vector<16xi32>,
      %get3A_122 = vector.shape_cast %get3A_121 : vector<16xi32> to vector<16xi32>
      %swap3A_123 = arith.constant 16 : index
      %swap3A_124 = tpu.vector_load %arg9[%swap3A_123] {strides = array<i32>} : memref<128xi32, #tpu.memory_space<vmem>>, vector<16xi32>,
      %swap3A_125 = vector.shape_cast %swap3A_124 : vector<16xi32> to vector<16xi32>
      %swap3A_126 = vector.shape_cast %get3A_122 : vector<16xi32> to vector<16xi32>
      tpu.vector_store %arg9[%swap3A_123], %swap3A_126 {strides = array<i32>} : memref<128xi32, #tpu.memory_space<vmem>>, vector<16xi32>,
      %add3A_127 = arith.constant 32 : i32
      %add3A_128 = arith.addi %mul3A_108, %add3A_127 : i32
      %get3A_129 = arith.index_cast %add3A_128 : i32 to index
      %get3A_130 = tpu.vector_load %arg7[%get3A_129] {strides = array<i32>} : memref<10240xi32, #tpu.memory_space<vmem>>, vector<16xi32>,
      %get3A_131 = vector.shape_cast %get3A_130 : vector<16xi32> to vector<16xi32>
      %swap3A_132 = arith.constant 32 : index
      %swap3A_133 = tpu.vector_load %arg9[%swap3A_132] {strides = array<i32>} : memref<128xi32, #tpu.memory_space<vmem>>, vector<16xi32>,
      %swap3A_134 = vector.shape_cast %swap3A_133 : vector<16xi32> to vector<16xi32>
      %swap3A_135 = vector.shape_cast %get3A_131 : vector<16xi32> to vector<16xi32>
      tpu.vector_store %arg9[%swap3A_132], %swap3A_135 {strides = array<i32>} : memref<128xi32, #tpu.memory_space<vmem>>, vector<16xi32>,
      %add3A_136 = arith.constant 48 : i32
      %add3A_137 = arith.addi %mul3A_108, %add3A_136 : i32
      %get3A_138 = arith.index_cast %add3A_137 : i32 to index
      %get3A_139 = tpu.vector_load %arg7[%get3A_138] {strides = array<i32>} : memref<10240xi32, #tpu.memory_space<vmem>>, vector<16xi32>,
      %get3A_140 = vector.shape_cast %get3A_139 : vector<16xi32> to vector<16xi32>
      %swap3A_141 = arith.constant 48 : index
      %swap3A_142 = tpu.vector_load %arg9[%swap3A_141] {strides = array<i32>} : memref<128xi32, #tpu.memory_space<vmem>>, vector<16xi32>,
      %swap3A_143 = vector.shape_cast %swap3A_142 : vector<16xi32> to vector<16xi32>
      %swap3A_144 = vector.shape_cast %get3A_140 : vector<16xi32> to vector<16xi32>
      tpu.vector_store %arg9[%swap3A_141], %swap3A_144 {strides = array<i32>} : memref<128xi32, #tpu.memory_space<vmem>>, vector<16xi32>,
      %add3A_145 = arith.constant 64 : i32
      %add3A_146 = arith.addi %mul3A_108, %add3A_145 : i32
      %get3A_147 = arith.index_cast %add3A_146 : i32 to index
      %get3A_148 = tpu.vector_load %arg7[%get3A_147] {strides = array<i32>} : memref<10240xi32, #tpu.memory_space<vmem>>, vector<16xi32>,
      %get3A_149 = vector.shape_cast %get3A_148 : vector<16xi32> to vector<16xi32>
      %swap3A_150 = arith.constant 64 : index
      %swap3A_151 = tpu.vector_load %arg9[%swap3A_150] {strides = array<i32>} : memref<128xi32, #tpu.memory_space<vmem>>, vector<16xi32>,
      %swap3A_152 = vector.shape_cast %swap3A_151 : vector<16xi32> to vector<16xi32>
      %swap3A_153 = vector.shape_cast %get3A_149 : vector<16xi32> to vector<16xi32>
      tpu.vector_store %arg9[%swap3A_150], %swap3A_153 {strides = array<i32>} : memref<128xi32, #tpu.memory_space<vmem>>, vector<16xi32>,
      %add3A_154 = arith.constant 80 : i32
      %add3A_155 = arith.addi %mul3A_108, %add3A_154 : i32
      %get3A_156 = arith.index_cast %add3A_155 : i32 to index
      %get3A_157 = tpu.vector_load %arg7[%get3A_156] {strides = array<i32>} : memref<10240xi32, #tpu.memory_space<vmem>>, vector<16xi32>,
      %get3A_158 = vector.shape_cast %get3A_157 : vector<16xi32> to vector<16xi32>
      %swap3A_159 = arith.constant 80 : index
      %swap3A_160 = tpu.vector_load %arg9[%swap3A_159] {strides = array<i32>} : memref<128xi32, #tpu.memory_space<vmem>>, vector<16xi32>,
      %swap3A_161 = vector.shape_cast %swap3A_160 : vector<16xi32> to vector<16xi32>
      %swap3A_162 = vector.shape_cast %get3A_158 : vector<16xi32> to vector<16xi32>
      tpu.vector_store %arg9[%swap3A_159], %swap3A_162 {strides = array<i32>} : memref<128xi32, #tpu.memory_space<vmem>>, vector<16xi32>,
      %add3A_163 = arith.constant 96 : i32
      %add3A_164 = arith.addi %mul3A_108, %add3A_163 : i32
      %get3A_165 = arith.index_cast %add3A_164 : i32 to index
      %get3A_166 = tpu.vector_load %arg7[%get3A_165] {strides = array<i32>} : memref<10240xi32, #tpu.memory_space<vmem>>, vector<16xi32>,
      %get3A_167 = vector.shape_cast %get3A_166 : vector<16xi32> to vector<16xi32>
      %swap3A_168 = arith.constant 96 : index
      %swap3A_169 = tpu.vector_load %arg9[%swap3A_168] {strides = array<i32>} : memref<128xi32, #tpu.memory_space<vmem>>, vector<16xi32>,
      %swap3A_170 = vector.shape_cast %swap3A_169 : vector<16xi32> to vector<16xi32>
      %swap3A_171 = vector.shape_cast %get3A_167 : vector<16xi32> to vector<16xi32>
      tpu.vector_store %arg9[%swap3A_168], %swap3A_171 {strides = array<i32>} : memref<128xi32, #tpu.memory_space<vmem>>, vector<16xi32>,
      %add3A_172 = arith.constant 112 : i32
      %add3A_173 = arith.addi %mul3A_108, %add3A_172 : i32
      %get3A_174 = arith.index_cast %add3A_173 : i32 to index
      %get3A_175 = tpu.vector_load %arg7[%get3A_174] {strides = array<i32>} : memref<10240xi32, #tpu.memory_space<vmem>>, vector<16xi32>,
      %get3A_176 = vector.shape_cast %get3A_175 : vector<16xi32> to vector<16xi32>
      %swap3A_177 = arith.constant 112 : index
      %swap3A_178 = tpu.vector_load %arg9[%swap3A_177] {strides = array<i32>} : memref<128xi32, #tpu.memory_space<vmem>>, vector<16xi32>,
      %swap3A_179 = vector.shape_cast %swap3A_178 : vector<16xi32> to vector<16xi32>
      %swap3A_180 = vector.shape_cast %get3A_176 : vector<16xi32> to vector<16xi32>
      tpu.vector_store %arg9[%swap3A_177], %swap3A_180 {strides = array<i32>} : memref<128xi32, #tpu.memory_space<vmem>>, vector<16xi32>,
      %dma_start3A_181 = arith.constant 0 : i32
      %dma_start3A_182 = arith.constant 0 : i32
      %dma_start3A_183 = tpu.memref_slice %arg2[%dma_start3A_181, %dma_start3A_182] : memref<20224x128xf32, #tpu.memory_space<hbm>> -> memref<20224x128xf32, #tpu.memory_space<hbm>>
      tpu.enqueue_indirect_dma source(%dma_start3A_183 : memref<20224x128xf32, #tpu.memory_space<hbm>>) target(%arg13 : memref<128x128xf32, #tpu.memory_space<vmem>>) offsets(%arg9 : memref<128xi32, #tpu.memory_space<vmem>>) semaphore(%arg16 : memref<!tpu.dma_semaphore, #tpu.memory_space<semaphore_mem>>)
      %add3A_184 = arith.constant 1 : i32
      %add3A_185 = arith.addi %mul3A_94, %add3A_184 : i32
      %mul3A_186 = arith.constant 128 : i32
      %mul3A_187 = arith.muli %add3A_185, %mul3A_186 : i32
      %add3A_188 = arith.addi %mul3A_4, %mul3A_187 : i32
      %dma_start3A_189 = tpu.memref_slice %arg4[%add3A_188] : memref<161920xi32, #tpu.memory_space<hbm>> -> memref<128xi32, #tpu.memory_space<hbm>>
      %dma_start3A_190 = tpu.memref_slice %arg4[%add3A_188] : memref<161920xi32, #tpu.memory_space<hbm>> -> memref<128xi32, #tpu.memory_space<hbm>>
      tpu.enqueue_dma source(%dma_start3A_190 : memref<128xi32, #tpu.memory_space<hbm>>) target(%arg11 : memref<128xi32, #tpu.memory_space<vmem>>) target_semaphore(%arg18 : memref<!tpu.dma_semaphore, #tpu.memory_space<semaphore_mem>>)
      %dma_wait3A_191 = arith.constant 0 : i32
      %dma_wait3A_192 = arith.constant 0 : i32
      %dma_wait3A_193 = tpu.memref_slice %arg14[%dma_wait3A_191, %dma_wait3A_192] : memref<10112x128xf32, #tpu.memory_space<vmem_shared>> -> memref<10112x128xf32, #tpu.memory_space<vmem_shared>>
      tpu.wait_indirect_dma semaphore(%arg19 : memref<!tpu.dma_semaphore, #tpu.memory_space<semaphore_mem>>) src(%arg12 : memref<128x128xf32, #tpu.memory_space<vmem>>) dst(%dma_wait3A_193 : memref<10112x128xf32, #tpu.memory_space<vmem_shared>>)
      %dma_wait3A_194 = arith.constant 0 : i32
      %dma_wait3A_195 = arith.constant 0 : i32
      %dma_wait3A_196 = tpu.memref_slice %arg2[%dma_wait3A_194, %dma_wait3A_195] : memref<20224x128xf32, #tpu.memory_space<hbm>> -> memref<20224x128xf32, #tpu.memory_space<hbm>>
      tpu.wait_indirect_dma semaphore(%arg16 : memref<!tpu.dma_semaphore, #tpu.memory_space<semaphore_mem>>) src(%dma_wait3A_196 : memref<20224x128xf32, #tpu.memory_space<hbm>>) dst(%arg13 : memref<128x128xf32, #tpu.memory_space<vmem>>)
      %dma_wait3A_197 = arith.constant 0 : i32
      %dma_wait3A_198 = tpu.memref_slice %arg4[%dma_wait3A_197] : memref<161920xi32, #tpu.memory_space<hbm>> -> memref<128xi32, #tpu.memory_space<hbm>>
      %dma_wait3A_199 = arith.constant 0 : i32
      %dma_wait3A_200 = tpu.memref_slice %arg4[%dma_wait3A_199] : memref<161920xi32, #tpu.memory_space<hbm>> -> memref<128xi32, #tpu.memory_space<hbm>>
      tpu.wait_dma2 semaphore(%arg18 : memref<!tpu.dma_semaphore, #tpu.memory_space<semaphore_mem>>) src(%dma_wait3A_200 : memref<128xi32, #tpu.memory_space<hbm>>) dst(%arg11 : memref<128xi32, #tpu.memory_space<vmem>>)
      %dma_start3A_201 = arith.constant 0 : i32
      %dma_start3A_202 = arith.constant 0 : i32
      %dma_start3A_203 = tpu.memref_slice %arg14[%dma_start3A_201, %dma_start3A_202] : memref<10112x128xf32, #tpu.memory_space<vmem_shared>> -> memref<10112x128xf32, #tpu.memory_space<vmem_shared>>
      tpu.enqueue_indirect_dma source(%arg13 : memref<128x128xf32, #tpu.memory_space<vmem>>) target(%dma_start3A_203 : memref<10112x128xf32, #tpu.memory_space<vmem_shared>>) offsets(%arg11 : memref<128xi32, #tpu.memory_space<vmem>>) semaphore(%arg20 : memref<!tpu.dma_semaphore, #tpu.memory_space<semaphore_mem>>) {add = true}
      %add3A_204 = arith.constant 2 : i32
      %add3A_205 = arith.addi %mul3A_94, %add3A_204 : i32
      %mul3A_206 = arith.constant 128 : i32
      %mul3A_207 = arith.muli %add3A_205, %mul3A_206 : i32
      %add3A_208 = arith.constant 0 : i32
      %add3A_209 = arith.addi %mul3A_207, %add3A_208 : i32
      %get3A_210 = arith.index_cast %add3A_209 : i32 to index
      %get3A_211 = tpu.vector_load %arg7[%get3A_210] {strides = array<i32>} : memref<10240xi32, #tpu.memory_space<vmem>>, vector<16xi32>,
      %get3A_212 = vector.shape_cast %get3A_211 : vector<16xi32> to vector<16xi32>
      %swap3A_213 = arith.constant 0 : index
      %swap3A_214 = tpu.vector_load %arg8[%swap3A_213] {strides = array<i32>} : memref<128xi32, #tpu.memory_space<vmem>>, vector<16xi32>,
      %swap3A_215 = vector.shape_cast %swap3A_214 : vector<16xi32> to vector<16xi32>
      %swap3A_216 = vector.shape_cast %get3A_212 : vector<16xi32> to vector<16xi32>
      tpu.vector_store %arg8[%swap3A_213], %swap3A_216 {strides = array<i32>} : memref<128xi32, #tpu.memory_space<vmem>>, vector<16xi32>,
      %add3A_217 = arith.constant 16 : i32
      %add3A_218 = arith.addi %mul3A_207, %add3A_217 : i32
      %get3A_219 = arith.index_cast %add3A_218 : i32 to index
      %get3A_220 = tpu.vector_load %arg7[%get3A_219] {strides = array<i32>} : memref<10240xi32, #tpu.memory_space<vmem>>, vector<16xi32>,
      %get3A_221 = vector.shape_cast %get3A_220 : vector<16xi32> to vector<16xi32>
      %swap3A_222 = arith.constant 16 : index
      %swap3A_223 = tpu.vector_load %arg8[%swap3A_222] {strides = array<i32>} : memref<128xi32, #tpu.memory_space<vmem>>, vector<16xi32>,
      %swap3A_224 = vector.shape_cast %swap3A_223 : vector<16xi32> to vector<16xi32>
      %swap3A_225 = vector.shape_cast %get3A_221 : vector<16xi32> to vector<16xi32>
      tpu.vector_store %arg8[%swap3A_222], %swap3A_225 {strides = array<i32>} : memref<128xi32, #tpu.memory_space<vmem>>, vector<16xi32>,
      %add3A_226 = arith.constant 32 : i32
      %add3A_227 = arith.addi %mul3A_207, %add3A_226 : i32
      %get3A_228 = arith.index_cast %add3A_227 : i32 to index
      %get3A_229 = tpu.vector_load %arg7[%get3A_228] {strides = array<i32>} : memref<10240xi32, #tpu.memory_space<vmem>>, vector<16xi32>,
      %get3A_230 = vector.shape_cast %get3A_229 : vector<16xi32> to vector<16xi32>
      %swap3A_231 = arith.constant 32 : index
      %swap3A_232 = tpu.vector_load %arg8[%swap3A_231] {strides = array<i32>} : memref<128xi32, #tpu.memory_space<vmem>>, vector<16xi32>,
      %swap3A_233 = vector.shape_cast %swap3A_232 : vector<16xi32> to vector<16xi32>
      %swap3A_234 = vector.shape_cast %get3A_230 : vector<16xi32> to vector<16xi32>
      tpu.vector_store %arg8[%swap3A_231], %swap3A_234 {strides = array<i32>} : memref<128xi32, #tpu.memory_space<vmem>>, vector<16xi32>,
      %add3A_235 = arith.constant 48 : i32
      %add3A_236 = arith.addi %mul3A_207, %add3A_235 : i32
      %get3A_237 = arith.index_cast %add3A_236 : i32 to index
      %get3A_238 = tpu.vector_load %arg7[%get3A_237] {strides = array<i32>} : memref<10240xi32, #tpu.memory_space<vmem>>, vector<16xi32>,
      %get3A_239 = vector.shape_cast %get3A_238 : vector<16xi32> to vector<16xi32>
      %swap3A_240 = arith.constant 48 : index
      %swap3A_241 = tpu.vector_load %arg8[%swap3A_240] {strides = array<i32>} : memref<128xi32, #tpu.memory_space<vmem>>, vector<16xi32>,
      %swap3A_242 = vector.shape_cast %swap3A_241 : vector<16xi32> to vector<16xi32>
      %swap3A_243 = vector.shape_cast %get3A_239 : vector<16xi32> to vector<16xi32>
      tpu.vector_store %arg8[%swap3A_240], %swap3A_243 {strides = array<i32>} : memref<128xi32, #tpu.memory_space<vmem>>, vector<16xi32>,
      %add3A_244 = arith.constant 64 : i32
      %add3A_245 = arith.addi %mul3A_207, %add3A_244 : i32
      %get3A_246 = arith.index_cast %add3A_245 : i32 to index
      %get3A_247 = tpu.vector_load %arg7[%get3A_246] {strides = array<i32>} : memref<10240xi32, #tpu.memory_space<vmem>>, vector<16xi32>,
      %get3A_248 = vector.shape_cast %get3A_247 : vector<16xi32> to vector<16xi32>
      %swap3A_249 = arith.constant 64 : index
      %swap3A_250 = tpu.vector_load %arg8[%swap3A_249] {strides = array<i32>} : memref<128xi32, #tpu.memory_space<vmem>>, vector<16xi32>,
      %swap3A_251 = vector.shape_cast %swap3A_250 : vector<16xi32> to vector<16xi32>
      %swap3A_252 = vector.shape_cast %get3A_248 : vector<16xi32> to vector<16xi32>
      tpu.vector_store %arg8[%swap3A_249], %swap3A_252 {strides = array<i32>} : memref<128xi32, #tpu.memory_space<vmem>>, vector<16xi32>,
      %add3A_253 = arith.constant 80 : i32
      %add3A_254 = arith.addi %mul3A_207, %add3A_253 : i32
      %get3A_255 = arith.index_cast %add3A_254 : i32 to index
      %get3A_256 = tpu.vector_load %arg7[%get3A_255] {strides = array<i32>} : memref<10240xi32, #tpu.memory_space<vmem>>, vector<16xi32>,
      %get3A_257 = vector.shape_cast %get3A_256 : vector<16xi32> to vector<16xi32>
      %swap3A_258 = arith.constant 80 : index
      %swap3A_259 = tpu.vector_load %arg8[%swap3A_258] {strides = array<i32>} : memref<128xi32, #tpu.memory_space<vmem>>, vector<16xi32>,
      %swap3A_260 = vector.shape_cast %swap3A_259 : vector<16xi32> to vector<16xi32>
      %swap3A_261 = vector.shape_cast %get3A_257 : vector<16xi32> to vector<16xi32>
      tpu.vector_store %arg8[%swap3A_258], %swap3A_261 {strides = array<i32>} : memref<128xi32, #tpu.memory_space<vmem>>, vector<16xi32>,
      %add3A_262 = arith.constant 96 : i32
      %add3A_263 = arith.addi %mul3A_207, %add3A_262 : i32
      %get3A_264 = arith.index_cast %add3A_263 : i32 to index
      %get3A_265 = tpu.vector_load %arg7[%get3A_264] {strides = array<i32>} : memref<10240xi32, #tpu.memory_space<vmem>>, vector<16xi32>,
      %get3A_266 = vector.shape_cast %get3A_265 : vector<16xi32> to vector<16xi32>
      %swap3A_267 = arith.constant 96 : index
      %swap3A_268 = tpu.vector_load %arg8[%swap3A_267] {strides = array<i32>} : memref<128xi32, #tpu.memory_space<vmem>>, vector<16xi32>,
      %swap3A_269 = vector.shape_cast %swap3A_268 : vector<16xi32> to vector<16xi32>
      %swap3A_270 = vector.shape_cast %get3A_266 : vector<16xi32> to vector<16xi32>
      tpu.vector_store %arg8[%swap3A_267], %swap3A_270 {strides = array<i32>} : memref<128xi32, #tpu.memory_space<vmem>>, vector<16xi32>,
      %add3A_271 = arith.constant 112 : i32
      %add3A_272 = arith.addi %mul3A_207, %add3A_271 : i32
      %get3A_273 = arith.index_cast %add3A_272 : i32 to index
      %get3A_274 = tpu.vector_load %arg7[%get3A_273] {strides = array<i32>} : memref<10240xi32, #tpu.memory_space<vmem>>, vector<16xi32>,
      %get3A_275 = vector.shape_cast %get3A_274 : vector<16xi32> to vector<16xi32>
      %swap3A_276 = arith.constant 112 : index
      %swap3A_277 = tpu.vector_load %arg8[%swap3A_276] {strides = array<i32>} : memref<128xi32, #tpu.memory_space<vmem>>, vector<16xi32>,
      %swap3A_278 = vector.shape_cast %swap3A_277 : vector<16xi32> to vector<16xi32>
      %swap3A_279 = vector.shape_cast %get3A_275 : vector<16xi32> to vector<16xi32>
      tpu.vector_store %arg8[%swap3A_276], %swap3A_279 {strides = array<i32>} : memref<128xi32, #tpu.memory_space<vmem>>, vector<16xi32>,
      %dma_start3A_280 = arith.constant 0 : i32
      %dma_start3A_281 = arith.constant 0 : i32
      %dma_start3A_282 = tpu.memref_slice %arg2[%dma_start3A_280, %dma_start3A_281] : memref<20224x128xf32, #tpu.memory_space<hbm>> -> memref<20224x128xf32, #tpu.memory_space<hbm>>
      tpu.enqueue_indirect_dma source(%dma_start3A_282 : memref<20224x128xf32, #tpu.memory_space<hbm>>) target(%arg12 : memref<128x128xf32, #tpu.memory_space<vmem>>) offsets(%arg8 : memref<128xi32, #tpu.memory_space<vmem>>) semaphore(%arg15 : memref<!tpu.dma_semaphore, #tpu.memory_space<semaphore_mem>>)
      %add3A_283 = arith.constant 2 : i32
      %add3A_284 = arith.addi %mul3A_94, %add3A_283 : i32
      %mul3A_285 = arith.constant 128 : i32
      %mul3A_286 = arith.muli %add3A_284, %mul3A_285 : i32
      %add3A_287 = arith.addi %mul3A_4, %mul3A_286 : i32
      %dma_start3A_288 = tpu.memref_slice %arg4[%add3A_287] : memref<161920xi32, #tpu.memory_space<hbm>> -> memref<128xi32, #tpu.memory_space<hbm>>
      %dma_start3A_289 = tpu.memref_slice %arg4[%add3A_287] : memref<161920xi32, #tpu.memory_space<hbm>> -> memref<128xi32, #tpu.memory_space<hbm>>
      tpu.enqueue_dma source(%dma_start3A_289 : memref<128xi32, #tpu.memory_space<hbm>>) target(%arg10 : memref<128xi32, #tpu.memory_space<vmem>>) target_semaphore(%arg17 : memref<!tpu.dma_semaphore, #tpu.memory_space<semaphore_mem>>)
      %dma_wait3A_290 = arith.constant 0 : i32
      %dma_wait3A_291 = arith.constant 0 : i32
      %dma_wait3A_292 = tpu.memref_slice %arg14[%dma_wait3A_290, %dma_wait3A_291] : memref<10112x128xf32, #tpu.memory_space<vmem_shared>> -> memref<10112x128xf32, #tpu.memory_space<vmem_shared>>
      tpu.wait_indirect_dma semaphore(%arg20 : memref<!tpu.dma_semaphore, #tpu.memory_space<semaphore_mem>>) src(%arg13 : memref<128x128xf32, #tpu.memory_space<vmem>>) dst(%dma_wait3A_292 : memref<10112x128xf32, #tpu.memory_space<vmem_shared>>)
    }
    %scan3A_71 = arith.constant 39 : i32
    %dma_wait3A = arith.constant 0 : i32
    %dma_wait3A_72 = arith.constant 0 : i32
    %dma_wait3A_73 = tpu.memref_slice %arg2[%dma_wait3A, %dma_wait3A_72] : memref<20224x128xf32, #tpu.memory_space<hbm>> -> memref<20224x128xf32, #tpu.memory_space<hbm>>
    tpu.wait_indirect_dma semaphore(%arg15 : memref<!tpu.dma_semaphore, #tpu.memory_space<semaphore_mem>>) src(%dma_wait3A_73 : memref<20224x128xf32, #tpu.memory_space<hbm>>) dst(%arg12 : memref<128x128xf32, #tpu.memory_space<vmem>>)
    %dma_wait3A_74 = arith.constant 0 : i32
    %dma_wait3A_75 = tpu.memref_slice %arg4[%dma_wait3A_74] : memref<161920xi32, #tpu.memory_space<hbm>> -> memref<128xi32, #tpu.memory_space<hbm>>
    %dma_wait3A_76 = arith.constant 0 : i32
    %dma_wait3A_77 = tpu.memref_slice %arg4[%dma_wait3A_76] : memref<161920xi32, #tpu.memory_space<hbm>> -> memref<128xi32, #tpu.memory_space<hbm>>
    tpu.wait_dma2 semaphore(%arg17 : memref<!tpu.dma_semaphore, #tpu.memory_space<semaphore_mem>>) src(%dma_wait3A_77 : memref<128xi32, #tpu.memory_space<hbm>>) dst(%arg10 : memref<128xi32, #tpu.memory_space<vmem>>)
    %dma_start3A_78 = arith.constant 0 : i32
    %dma_start3A_79 = arith.constant 0 : i32
    %dma_start3A_80 = tpu.memref_slice %arg14[%dma_start3A_78, %dma_start3A_79] : memref<10112x128xf32, #tpu.memory_space<vmem_shared>> -> memref<10112x128xf32, #tpu.memory_space<vmem_shared>>
    tpu.enqueue_indirect_dma source(%arg12 : memref<128x128xf32, #tpu.memory_space<vmem>>) target(%dma_start3A_80 : memref<10112x128xf32, #tpu.memory_space<vmem_shared>>) offsets(%arg10 : memref<128xi32, #tpu.memory_space<vmem>>) semaphore(%arg19 : memref<!tpu.dma_semaphore, #tpu.memory_space<semaphore_mem>>) {add = true}
    %dma_wait3A_81 = arith.constant 0 : i32
    %dma_wait3A_82 = arith.constant 0 : i32
    %dma_wait3A_83 = tpu.memref_slice %arg14[%dma_wait3A_81, %dma_wait3A_82] : memref<10112x128xf32, #tpu.memory_space<vmem_shared>> -> memref<10112x128xf32, #tpu.memory_space<vmem_shared>>
    tpu.wait_indirect_dma semaphore(%arg19 : memref<!tpu.dma_semaphore, #tpu.memory_space<semaphore_mem>>) src(%arg12 : memref<128x128xf32, #tpu.memory_space<vmem>>) dst(%dma_wait3A_83 : memref<10112x128xf32, #tpu.memory_space<vmem_shared>>)
    %barrier3A_84 = arith.constant 0 : index
    tpu.barrier barrier_id(%barrier3A_84)
    %mul3A_85 = arith.constant 632 : i32
    %mul3A_86 = arith.muli %arg1, %mul3A_85 : i32
    %mul3A_87 = arith.constant 10112 : i32
    %mul3A_88 = arith.muli %arg0, %mul3A_87 : i32
    %mul3A_89 = arith.constant 632 : i32
    %mul3A_90 = arith.muli %arg1, %mul3A_89 : i32
    %add3A_91 = arith.addi %mul3A_88, %mul3A_90 : i32
    "tpu.region"() ({
      %run_scoped3A = tpu.sem_alloc : memref<!tpu.dma_semaphore, #tpu.memory_space<semaphore_mem>>
      %dma_start3A_92 = arith.constant 0 : i32
      %dma_start3A_93 = tpu.memref_slice %arg6[%add3A_91, %dma_start3A_92] : memref<20224x128xf32, #tpu.memory_space<hbm>> -> memref<632x128xf32, #tpu.memory_space<hbm>>
      %dma_start3A_94 = arith.constant 0 : i32
      %dma_start3A_95 = tpu.memref_slice %arg14[%mul3A_86, %dma_start3A_94] : memref<10112x128xf32, #tpu.memory_space<vmem_shared>> -> memref<632x128xf32, #tpu.memory_space<vmem_shared>>
      tpu.enqueue_dma source(%dma_start3A_95 : memref<632x128xf32, #tpu.memory_space<vmem_shared>>) target(%dma_start3A_93 : memref<632x128xf32, #tpu.memory_space<hbm>>) target_semaphore(%run_scoped3A : memref<!tpu.dma_semaphore, #tpu.memory_space<semaphore_mem>>)
      %dma_wait3A_96 = arith.constant 0 : i32
      %dma_wait3A_97 = tpu.memref_slice %arg6[%add3A_91, %dma_wait3A_96] : memref<20224x128xf32, #tpu.memory_space<hbm>> -> memref<632x128xf32, #tpu.memory_space<hbm>>
      %dma_wait3A_98 = arith.constant 0 : i32
      %dma_wait3A_99 = tpu.memref_slice %arg14[%mul3A_86, %dma_wait3A_98] : memref<10112x128xf32, #tpu.memory_space<vmem_shared>> -> memref<632x128xf32, #tpu.memory_space<vmem_shared>>
      tpu.wait_dma2 semaphore(%run_scoped3A : memref<!tpu.dma_semaphore, #tpu.memory_space<semaphore_mem>>) src(%dma_wait3A_99 : memref<632x128xf32, #tpu.memory_space<vmem_shared>>) dst(%dma_wait3A_97 : memref<632x128xf32, #tpu.memory_space<hbm>>)
      tpu.yield
    }) : () -> ()
    return
  }
}

#map = affine_map<(d0, d1) -> (0, 0)>
#map1 = affine_map<(d0, d1) -> (0)>
module attributes {stable_mosaic.version = 14 : i64} {
  func.func @agg(%arg0: i32, %arg1: i32, %arg2: memref<20224x128xf32, #tpu.memory_space<hbm>>, %arg3: memref<323712xi32, #tpu.memory_space<hbm>>, %arg4: memref<161920xi32, #tpu.memory_space<hbm>>, %arg5: memref<632x128xf32, #tpu.memory_space<hbm>>, %arg6: memref<20224x128xf32, #tpu.memory_space<hbm>>, %arg7: memref<10240xi32, #tpu.memory_space<vmem>>, %arg8: memref<128xi32, #tpu.memory_space<vmem>>, %arg9: memref<128xi32, #tpu.memory_space<vmem>>, %arg10: memref<128xi32, #tpu.memory_space<vmem>>, %arg11: memref<128xi32, #tpu.memory_space<vmem>>, %arg12: memref<128x128xf32, #tpu.memory_space<vmem>>, %arg13: memref<128x128xf32, #tpu.memory_space<vmem>>, %arg14: memref<10112x128xf32, #tpu.memory_space<vmem_shared>>, %arg15: memref<!tpu.dma_semaphore, #tpu.memory_space<semaphore_mem>>, %arg16: memref<!tpu.dma_semaphore, #tpu.memory_space<semaphore_mem>>, %arg17: memref<!tpu.dma_semaphore, #tpu.memory_space<semaphore_mem>>, %arg18: memref<!tpu.dma_semaphore, #tpu.memory_space<semaphore_mem>>, %arg19: memref<!tpu.dma_semaphore, #tpu.memory_space<semaphore_mem>>, %arg20: memref<!tpu.dma_semaphore, #tpu.memory_space<semaphore_mem>>) attributes {dimension_semantics = [#tpu.dimension_semantics<core_parallel>, #tpu.dimension_semantics<subcore_parallel>], iteration_bounds = array<i64: 2, 16>, scalar_prefetch = 0 : i64, scratch_operands = 14 : i64, tpu.core_type = #tpu.core_type<sc_vector_subcore>, window_params = [{transform_indices = #map}, {transform_indices = #map1}, {transform_indices = #map1}, {transform_indices = #map}, {transform_indices = #map}]} {
    %mul3A = arith.constant 161792 : i32
    %mul3A_0 = arith.muli %arg0, %mul3A : i32
    %mul3A_1 = arith.constant 10112 : i32
    %mul3A_2 = arith.muli %arg1, %mul3A_1 : i32
    %add3A = arith.addi %mul3A_0, %mul3A_2 : i32
    %mul3A_3 = arith.constant 10112 : i32
    %mul3A_4 = arith.muli %arg1, %mul3A_3 : i32
    "tpu.region"() ({
      %run_scoped3A = tpu.sem_alloc : memref<!tpu.dma_semaphore, #tpu.memory_space<semaphore_mem>>
      %dma_start3A_92 = tpu.memref_slice %arg3[%add3A] : memref<323712xi32, #tpu.memory_space<hbm>> -> memref<10240xi32, #tpu.memory_space<hbm>>
      %dma_start3A_93 = tpu.memref_slice %arg3[%add3A] : memref<323712xi32, #tpu.memory_space<hbm>> -> memref<10240xi32, #tpu.memory_space<hbm>>
      tpu.enqueue_dma source(%dma_start3A_93 : memref<10240xi32, #tpu.memory_space<hbm>>) target(%arg7 : memref<10240xi32, #tpu.memory_space<vmem>>) target_semaphore(%run_scoped3A : memref<!tpu.dma_semaphore, #tpu.memory_space<semaphore_mem>>)
      %dma_wait3A_94 = tpu.memref_slice %arg3[%add3A] : memref<323712xi32, #tpu.memory_space<hbm>> -> memref<10240xi32, #tpu.memory_space<hbm>>
      %dma_wait3A_95 = tpu.memref_slice %arg3[%add3A] : memref<323712xi32, #tpu.memory_space<hbm>> -> memref<10240xi32, #tpu.memory_space<hbm>>
      tpu.wait_dma2 semaphore(%run_scoped3A : memref<!tpu.dma_semaphore, #tpu.memory_space<semaphore_mem>>) src(%dma_wait3A_95 : memref<10240xi32, #tpu.memory_space<hbm>>) dst(%arg7 : memref<10240xi32, #tpu.memory_space<vmem>>)
      tpu.yield
    }) : () -> ()
    %mul3A_5 = arith.constant 632 : i32
    %mul3A_6 = arith.muli %arg1, %mul3A_5 : i32
    "tpu.region"() ({
      %run_scoped3A = tpu.sem_alloc : memref<!tpu.dma_semaphore, #tpu.memory_space<semaphore_mem>>
      %dma_start3A_92 = arith.constant 0 : i32
      %dma_start3A_93 = tpu.memref_slice %arg14[%mul3A_6, %dma_start3A_92] : memref<10112x128xf32, #tpu.memory_space<vmem_shared>> -> memref<632x128xf32, #tpu.memory_space<vmem_shared>>
      tpu.enqueue_dma source(%arg5 : memref<632x128xf32, #tpu.memory_space<hbm>>) target(%dma_start3A_93 : memref<632x128xf32, #tpu.memory_space<vmem_shared>>) target_semaphore(%run_scoped3A : memref<!tpu.dma_semaphore, #tpu.memory_space<semaphore_mem>>)
      %dma_wait3A_94 = arith.constant 0 : i32
      %dma_wait3A_95 = tpu.memref_slice %arg14[%mul3A_6, %dma_wait3A_94] : memref<10112x128xf32, #tpu.memory_space<vmem_shared>> -> memref<632x128xf32, #tpu.memory_space<vmem_shared>>
      tpu.wait_dma2 semaphore(%run_scoped3A : memref<!tpu.dma_semaphore, #tpu.memory_space<semaphore_mem>>) src(%arg5 : memref<632x128xf32, #tpu.memory_space<hbm>>) dst(%dma_wait3A_95 : memref<632x128xf32, #tpu.memory_space<vmem_shared>>)
      tpu.yield
    }) : () -> ()
    %barrier3A = arith.constant 0 : index
    tpu.barrier barrier_id(%barrier3A)
    %get3A = arith.constant 0 : index
    %get3A_7 = tpu.vector_load %arg7[%get3A] {strides = array<i32>} : memref<10240xi32, #tpu.memory_space<vmem>>, vector<16xi32>,
    %get3A_8 = vector.shape_cast %get3A_7 : vector<16xi32> to vector<16xi32>
    %swap3A = arith.constant 0 : index
    %swap3A_9 = tpu.vector_load %arg8[%swap3A] {strides = array<i32>} : memref<128xi32, #tpu.memory_space<vmem>>, vector<16xi32>,
    %swap3A_10 = vector.shape_cast %swap3A_9 : vector<16xi32> to vector<16xi32>
    %swap3A_11 = vector.shape_cast %get3A_8 : vector<16xi32> to vector<16xi32>
    tpu.vector_store %arg8[%swap3A], %swap3A_11 {strides = array<i32>} : memref<128xi32, #tpu.memory_space<vmem>>, vector<16xi32>,
    %get3A_12 = arith.constant 16 : index
    %get3A_13 = tpu.vector_load %arg7[%get3A_12] {strides = array<i32>} : memref<10240xi32, #tpu.memory_space<vmem>>, vector<16xi32>,
    %get3A_14 = vector.shape_cast %get3A_13 : vector<16xi32> to vector<16xi32>
    %swap3A_15 = arith.constant 16 : index
    %swap3A_16 = tpu.vector_load %arg8[%swap3A_15] {strides = array<i32>} : memref<128xi32, #tpu.memory_space<vmem>>, vector<16xi32>,
    %swap3A_17 = vector.shape_cast %swap3A_16 : vector<16xi32> to vector<16xi32>
    %swap3A_18 = vector.shape_cast %get3A_14 : vector<16xi32> to vector<16xi32>
    tpu.vector_store %arg8[%swap3A_15], %swap3A_18 {strides = array<i32>} : memref<128xi32, #tpu.memory_space<vmem>>, vector<16xi32>,
    %get3A_19 = arith.constant 32 : index
    %get3A_20 = tpu.vector_load %arg7[%get3A_19] {strides = array<i32>} : memref<10240xi32, #tpu.memory_space<vmem>>, vector<16xi32>,
    %get3A_21 = vector.shape_cast %get3A_20 : vector<16xi32> to vector<16xi32>
    %swap3A_22 = arith.constant 32 : index
    %swap3A_23 = tpu.vector_load %arg8[%swap3A_22] {strides = array<i32>} : memref<128xi32, #tpu.memory_space<vmem>>, vector<16xi32>,
    %swap3A_24 = vector.shape_cast %swap3A_23 : vector<16xi32> to vector<16xi32>
    %swap3A_25 = vector.shape_cast %get3A_21 : vector<16xi32> to vector<16xi32>
    tpu.vector_store %arg8[%swap3A_22], %swap3A_25 {strides = array<i32>} : memref<128xi32, #tpu.memory_space<vmem>>, vector<16xi32>,
    %get3A_26 = arith.constant 48 : index
    %get3A_27 = tpu.vector_load %arg7[%get3A_26] {strides = array<i32>} : memref<10240xi32, #tpu.memory_space<vmem>>, vector<16xi32>,
    %get3A_28 = vector.shape_cast %get3A_27 : vector<16xi32> to vector<16xi32>
    %swap3A_29 = arith.constant 48 : index
    %swap3A_30 = tpu.vector_load %arg8[%swap3A_29] {strides = array<i32>} : memref<128xi32, #tpu.memory_space<vmem>>, vector<16xi32>,
    %swap3A_31 = vector.shape_cast %swap3A_30 : vector<16xi32> to vector<16xi32>
    %swap3A_32 = vector.shape_cast %get3A_28 : vector<16xi32> to vector<16xi32>
    tpu.vector_store %arg8[%swap3A_29], %swap3A_32 {strides = array<i32>} : memref<128xi32, #tpu.memory_space<vmem>>, vector<16xi32>,
    %get3A_33 = arith.constant 64 : index
    %get3A_34 = tpu.vector_load %arg7[%get3A_33] {strides = array<i32>} : memref<10240xi32, #tpu.memory_space<vmem>>, vector<16xi32>,
    %get3A_35 = vector.shape_cast %get3A_34 : vector<16xi32> to vector<16xi32>
    %swap3A_36 = arith.constant 64 : index
    %swap3A_37 = tpu.vector_load %arg8[%swap3A_36] {strides = array<i32>} : memref<128xi32, #tpu.memory_space<vmem>>, vector<16xi32>,
    %swap3A_38 = vector.shape_cast %swap3A_37 : vector<16xi32> to vector<16xi32>
    %swap3A_39 = vector.shape_cast %get3A_35 : vector<16xi32> to vector<16xi32>
    tpu.vector_store %arg8[%swap3A_36], %swap3A_39 {strides = array<i32>} : memref<128xi32, #tpu.memory_space<vmem>>, vector<16xi32>,
    %get3A_40 = arith.constant 80 : index
    %get3A_41 = tpu.vector_load %arg7[%get3A_40] {strides = array<i32>} : memref<10240xi32, #tpu.memory_space<vmem>>, vector<16xi32>,
    %get3A_42 = vector.shape_cast %get3A_41 : vector<16xi32> to vector<16xi32>
    %swap3A_43 = arith.constant 80 : index
    %swap3A_44 = tpu.vector_load %arg8[%swap3A_43] {strides = array<i32>} : memref<128xi32, #tpu.memory_space<vmem>>, vector<16xi32>,
    %swap3A_45 = vector.shape_cast %swap3A_44 : vector<16xi32> to vector<16xi32>
    %swap3A_46 = vector.shape_cast %get3A_42 : vector<16xi32> to vector<16xi32>
    tpu.vector_store %arg8[%swap3A_43], %swap3A_46 {strides = array<i32>} : memref<128xi32, #tpu.memory_space<vmem>>, vector<16xi32>,
    %get3A_47 = arith.constant 96 : index
    %get3A_48 = tpu.vector_load %arg7[%get3A_47] {strides = array<i32>} : memref<10240xi32, #tpu.memory_space<vmem>>, vector<16xi32>,
    %get3A_49 = vector.shape_cast %get3A_48 : vector<16xi32> to vector<16xi32>
    %swap3A_50 = arith.constant 96 : index
    %swap3A_51 = tpu.vector_load %arg8[%swap3A_50] {strides = array<i32>} : memref<128xi32, #tpu.memory_space<vmem>>, vector<16xi32>,
    %swap3A_52 = vector.shape_cast %swap3A_51 : vector<16xi32> to vector<16xi32>
    %swap3A_53 = vector.shape_cast %get3A_49 : vector<16xi32> to vector<16xi32>
    tpu.vector_store %arg8[%swap3A_50], %swap3A_53 {strides = array<i32>} : memref<128xi32, #tpu.memory_space<vmem>>, vector<16xi32>,
    %get3A_54 = arith.constant 112 : index
    %get3A_55 = tpu.vector_load %arg7[%get3A_54] {strides = array<i32>} : memref<10240xi32, #tpu.memory_space<vmem>>, vector<16xi32>,
    %get3A_56 = vector.shape_cast %get3A_55 : vector<16xi32> to vector<16xi32>
    %swap3A_57 = arith.constant 112 : index
    %swap3A_58 = tpu.vector_load %arg8[%swap3A_57] {strides = array<i32>} : memref<128xi32, #tpu.memory_space<vmem>>, vector<16xi32>,
    %swap3A_59 = vector.shape_cast %swap3A_58 : vector<16xi32> to vector<16xi32>
    %swap3A_60 = vector.shape_cast %get3A_56 : vector<16xi32> to vector<16xi32>
    tpu.vector_store %arg8[%swap3A_57], %swap3A_60 {strides = array<i32>} : memref<128xi32, #tpu.memory_space<vmem>>, vector<16xi32>,
    %add3A_61 = arith.constant 0 : i32
    %add3A_62 = arith.addi %mul3A_4, %add3A_61 : i32
    %dma_start3A = tpu.memref_slice %arg4[%add3A_62] : memref<161920xi32, #tpu.memory_space<hbm>> -> memref<128xi32, #tpu.memory_space<hbm>>
    %dma_start3A_63 = tpu.memref_slice %arg4[%add3A_62] : memref<161920xi32, #tpu.memory_space<hbm>> -> memref<128xi32, #tpu.memory_space<hbm>>
    tpu.enqueue_dma source(%dma_start3A_63 : memref<128xi32, #tpu.memory_space<hbm>>) target(%arg10 : memref<128xi32, #tpu.memory_space<vmem>>) target_semaphore(%arg17 : memref<!tpu.dma_semaphore, #tpu.memory_space<semaphore_mem>>)
    %dma_start3A_64 = arith.constant 0 : i32
    %dma_start3A_65 = arith.constant 0 : i32
    %dma_start3A_66 = tpu.memref_slice %arg2[%dma_start3A_64, %dma_start3A_65] : memref<20224x128xf32, #tpu.memory_space<hbm>> -> memref<20224x128xf32, #tpu.memory_space<hbm>>
    tpu.enqueue_indirect_dma source(%dma_start3A_66 : memref<20224x128xf32, #tpu.memory_space<hbm>>) target(%arg12 : memref<128x128xf32, #tpu.memory_space<vmem>>) offsets(%arg8 : memref<128xi32, #tpu.memory_space<vmem>>) semaphore(%arg15 : memref<!tpu.dma_semaphore, #tpu.memory_space<semaphore_mem>>)
    %scan3A = arith.constant 0 : i32
    %scan3A_67 = arith.constant 0 : i32
    %scan3A_68 = arith.constant 39 : i32
    %scan3A_69 = arith.addi %scan3A_67, %scan3A_68 : i32
    %scan3A_70 = arith.constant 1 : i32
    scf.for %scan3A_92 = %scan3A_67 to %scan3A_69 step %scan3A_70  : i32 {
      %mul3A_93 = arith.constant 2 : i32
      %mul3A_94 = arith.muli %scan3A_92, %mul3A_93 : i32
      %dma_wait3A_95 = arith.constant 0 : i32
      %dma_wait3A_96 = arith.constant 0 : i32
      %dma_wait3A_97 = tpu.memref_slice %arg2[%dma_wait3A_95, %dma_wait3A_96] : memref<20224x128xf32, #tpu.memory_space<hbm>> -> memref<20224x128xf32, #tpu.memory_space<hbm>>
      tpu.wait_indirect_dma semaphore(%arg15 : memref<!tpu.dma_semaphore, #tpu.memory_space<semaphore_mem>>) src(%dma_wait3A_97 : memref<20224x128xf32, #tpu.memory_space<hbm>>) dst(%arg12 : memref<128x128xf32, #tpu.memory_space<vmem>>)
      %dma_wait3A_98 = arith.constant 0 : i32
      %dma_wait3A_99 = tpu.memref_slice %arg4[%dma_wait3A_98] : memref<161920xi32, #tpu.memory_space<hbm>> -> memref<128xi32, #tpu.memory_space<hbm>>
      %dma_wait3A_100 = arith.constant 0 : i32
      %dma_wait3A_101 = tpu.memref_slice %arg4[%dma_wait3A_100] : memref<161920xi32, #tpu.memory_space<hbm>> -> memref<128xi32, #tpu.memory_space<hbm>>
      tpu.wait_dma2 semaphore(%arg17 : memref<!tpu.dma_semaphore, #tpu.memory_space<semaphore_mem>>) src(%dma_wait3A_101 : memref<128xi32, #tpu.memory_space<hbm>>) dst(%arg10 : memref<128xi32, #tpu.memory_space<vmem>>)
      %dma_start3A_102 = arith.constant 0 : i32
      %dma_start3A_103 = arith.constant 0 : i32
      %dma_start3A_104 = tpu.memref_slice %arg14[%dma_start3A_102, %dma_start3A_103] : memref<10112x128xf32, #tpu.memory_space<vmem_shared>> -> memref<10112x128xf32, #tpu.memory_space<vmem_shared>>
      tpu.enqueue_indirect_dma source(%arg12 : memref<128x128xf32, #tpu.memory_space<vmem>>) target(%dma_start3A_104 : memref<10112x128xf32, #tpu.memory_space<vmem_shared>>) offsets(%arg10 : memref<128xi32, #tpu.memory_space<vmem>>) semaphore(%arg19 : memref<!tpu.dma_semaphore, #tpu.memory_space<semaphore_mem>>) {add = true}
      %add3A_105 = arith.constant 1 : i32
      %add3A_106 = arith.addi %mul3A_94, %add3A_105 : i32
      %mul3A_107 = arith.constant 128 : i32
      %mul3A_108 = arith.muli %add3A_106, %mul3A_107 : i32
      %add3A_109 = arith.constant 0 : i32
      %add3A_110 = arith.addi %mul3A_108, %add3A_109 : i32
      %get3A_111 = arith.index_cast %add3A_110 : i32 to index
      %get3A_112 = tpu.vector_load %arg7[%get3A_111] {strides = array<i32>} : memref<10240xi32, #tpu.memory_space<vmem>>, vector<16xi32>,
      %get3A_113 = vector.shape_cast %get3A_112 : vector<16xi32> to vector<16xi32>
      %swap3A_114 = arith.constant 0 : index
      %swap3A_115 = tpu.vector_load %arg9[%swap3A_114] {strides = array<i32>} : memref<128xi32, #tpu.memory_space<vmem>>, vector<16xi32>,
      %swap3A_116 = vector.shape_cast %swap3A_115 : vector<16xi32> to vector<16xi32>
      %swap3A_117 = vector.shape_cast %get3A_113 : vector<16xi32> to vector<16xi32>
      tpu.vector_store %arg9[%swap3A_114], %swap3A_117 {strides = array<i32>} : memref<128xi32, #tpu.memory_space<vmem>>, vector<16xi32>,
      %add3A_118 = arith.constant 16 : i32
      %add3A_119 = arith.addi %mul3A_108, %add3A_118 : i32
      %get3A_120 = arith.index_cast %add3A_119 : i32 to index
      %get3A_121 = tpu.vector_load %arg7[%get3A_120] {strides = array<i32>} : memref<10240xi32, #tpu.memory_space<vmem>>, vector<16xi32>,
      %get3A_122 = vector.shape_cast %get3A_121 : vector<16xi32> to vector<16xi32>
      %swap3A_123 = arith.constant 16 : index
      %swap3A_124 = tpu.vector_load %arg9[%swap3A_123] {strides = array<i32>} : memref<128xi32, #tpu.memory_space<vmem>>, vector<16xi32>,
      %swap3A_125 = vector.shape_cast %swap3A_124 : vector<16xi32> to vector<16xi32>
      %swap3A_126 = vector.shape_cast %get3A_122 : vector<16xi32> to vector<16xi32>
      tpu.vector_store %arg9[%swap3A_123], %swap3A_126 {strides = array<i32>} : memref<128xi32, #tpu.memory_space<vmem>>, vector<16xi32>,
      %add3A_127 = arith.constant 32 : i32
      %add3A_128 = arith.addi %mul3A_108, %add3A_127 : i32
      %get3A_129 = arith.index_cast %add3A_128 : i32 to index
      %get3A_130 = tpu.vector_load %arg7[%get3A_129] {strides = array<i32>} : memref<10240xi32, #tpu.memory_space<vmem>>, vector<16xi32>,
      %get3A_131 = vector.shape_cast %get3A_130 : vector<16xi32> to vector<16xi32>
      %swap3A_132 = arith.constant 32 : index
      %swap3A_133 = tpu.vector_load %arg9[%swap3A_132] {strides = array<i32>} : memref<128xi32, #tpu.memory_space<vmem>>, vector<16xi32>,
      %swap3A_134 = vector.shape_cast %swap3A_133 : vector<16xi32> to vector<16xi32>
      %swap3A_135 = vector.shape_cast %get3A_131 : vector<16xi32> to vector<16xi32>
      tpu.vector_store %arg9[%swap3A_132], %swap3A_135 {strides = array<i32>} : memref<128xi32, #tpu.memory_space<vmem>>, vector<16xi32>,
      %add3A_136 = arith.constant 48 : i32
      %add3A_137 = arith.addi %mul3A_108, %add3A_136 : i32
      %get3A_138 = arith.index_cast %add3A_137 : i32 to index
      %get3A_139 = tpu.vector_load %arg7[%get3A_138] {strides = array<i32>} : memref<10240xi32, #tpu.memory_space<vmem>>, vector<16xi32>,
      %get3A_140 = vector.shape_cast %get3A_139 : vector<16xi32> to vector<16xi32>
      %swap3A_141 = arith.constant 48 : index
      %swap3A_142 = tpu.vector_load %arg9[%swap3A_141] {strides = array<i32>} : memref<128xi32, #tpu.memory_space<vmem>>, vector<16xi32>,
      %swap3A_143 = vector.shape_cast %swap3A_142 : vector<16xi32> to vector<16xi32>
      %swap3A_144 = vector.shape_cast %get3A_140 : vector<16xi32> to vector<16xi32>
      tpu.vector_store %arg9[%swap3A_141], %swap3A_144 {strides = array<i32>} : memref<128xi32, #tpu.memory_space<vmem>>, vector<16xi32>,
      %add3A_145 = arith.constant 64 : i32
      %add3A_146 = arith.addi %mul3A_108, %add3A_145 : i32
      %get3A_147 = arith.index_cast %add3A_146 : i32 to index
      %get3A_148 = tpu.vector_load %arg7[%get3A_147] {strides = array<i32>} : memref<10240xi32, #tpu.memory_space<vmem>>, vector<16xi32>,
      %get3A_149 = vector.shape_cast %get3A_148 : vector<16xi32> to vector<16xi32>
      %swap3A_150 = arith.constant 64 : index
      %swap3A_151 = tpu.vector_load %arg9[%swap3A_150] {strides = array<i32>} : memref<128xi32, #tpu.memory_space<vmem>>, vector<16xi32>,
      %swap3A_152 = vector.shape_cast %swap3A_151 : vector<16xi32> to vector<16xi32>
      %swap3A_153 = vector.shape_cast %get3A_149 : vector<16xi32> to vector<16xi32>
      tpu.vector_store %arg9[%swap3A_150], %swap3A_153 {strides = array<i32>} : memref<128xi32, #tpu.memory_space<vmem>>, vector<16xi32>,
      %add3A_154 = arith.constant 80 : i32
      %add3A_155 = arith.addi %mul3A_108, %add3A_154 : i32
      %get3A_156 = arith.index_cast %add3A_155 : i32 to index
      %get3A_157 = tpu.vector_load %arg7[%get3A_156] {strides = array<i32>} : memref<10240xi32, #tpu.memory_space<vmem>>, vector<16xi32>,
      %get3A_158 = vector.shape_cast %get3A_157 : vector<16xi32> to vector<16xi32>
      %swap3A_159 = arith.constant 80 : index
      %swap3A_160 = tpu.vector_load %arg9[%swap3A_159] {strides = array<i32>} : memref<128xi32, #tpu.memory_space<vmem>>, vector<16xi32>,
      %swap3A_161 = vector.shape_cast %swap3A_160 : vector<16xi32> to vector<16xi32>
      %swap3A_162 = vector.shape_cast %get3A_158 : vector<16xi32> to vector<16xi32>
      tpu.vector_store %arg9[%swap3A_159], %swap3A_162 {strides = array<i32>} : memref<128xi32, #tpu.memory_space<vmem>>, vector<16xi32>,
      %add3A_163 = arith.constant 96 : i32
      %add3A_164 = arith.addi %mul3A_108, %add3A_163 : i32
      %get3A_165 = arith.index_cast %add3A_164 : i32 to index
      %get3A_166 = tpu.vector_load %arg7[%get3A_165] {strides = array<i32>} : memref<10240xi32, #tpu.memory_space<vmem>>, vector<16xi32>,
      %get3A_167 = vector.shape_cast %get3A_166 : vector<16xi32> to vector<16xi32>
      %swap3A_168 = arith.constant 96 : index
      %swap3A_169 = tpu.vector_load %arg9[%swap3A_168] {strides = array<i32>} : memref<128xi32, #tpu.memory_space<vmem>>, vector<16xi32>,
      %swap3A_170 = vector.shape_cast %swap3A_169 : vector<16xi32> to vector<16xi32>
      %swap3A_171 = vector.shape_cast %get3A_167 : vector<16xi32> to vector<16xi32>
      tpu.vector_store %arg9[%swap3A_168], %swap3A_171 {strides = array<i32>} : memref<128xi32, #tpu.memory_space<vmem>>, vector<16xi32>,
      %add3A_172 = arith.constant 112 : i32
      %add3A_173 = arith.addi %mul3A_108, %add3A_172 : i32
      %get3A_174 = arith.index_cast %add3A_173 : i32 to index
      %get3A_175 = tpu.vector_load %arg7[%get3A_174] {strides = array<i32>} : memref<10240xi32, #tpu.memory_space<vmem>>, vector<16xi32>,
      %get3A_176 = vector.shape_cast %get3A_175 : vector<16xi32> to vector<16xi32>
      %swap3A_177 = arith.constant 112 : index
      %swap3A_178 = tpu.vector_load %arg9[%swap3A_177] {strides = array<i32>} : memref<128xi32, #tpu.memory_space<vmem>>, vector<16xi32>,
      %swap3A_179 = vector.shape_cast %swap3A_178 : vector<16xi32> to vector<16xi32>
      %swap3A_180 = vector.shape_cast %get3A_176 : vector<16xi32> to vector<16xi32>
      tpu.vector_store %arg9[%swap3A_177], %swap3A_180 {strides = array<i32>} : memref<128xi32, #tpu.memory_space<vmem>>, vector<16xi32>,
      %dma_start3A_181 = arith.constant 0 : i32
      %dma_start3A_182 = arith.constant 0 : i32
      %dma_start3A_183 = tpu.memref_slice %arg2[%dma_start3A_181, %dma_start3A_182] : memref<20224x128xf32, #tpu.memory_space<hbm>> -> memref<20224x128xf32, #tpu.memory_space<hbm>>
      tpu.enqueue_indirect_dma source(%dma_start3A_183 : memref<20224x128xf32, #tpu.memory_space<hbm>>) target(%arg13 : memref<128x128xf32, #tpu.memory_space<vmem>>) offsets(%arg9 : memref<128xi32, #tpu.memory_space<vmem>>) semaphore(%arg16 : memref<!tpu.dma_semaphore, #tpu.memory_space<semaphore_mem>>)
      %add3A_184 = arith.constant 1 : i32
      %add3A_185 = arith.addi %mul3A_94, %add3A_184 : i32
      %mul3A_186 = arith.constant 128 : i32
      %mul3A_187 = arith.muli %add3A_185, %mul3A_186 : i32
      %add3A_188 = arith.addi %mul3A_4, %mul3A_187 : i32
      %dma_start3A_189 = tpu.memref_slice %arg4[%add3A_188] : memref<161920xi32, #tpu.memory_space<hbm>> -> memref<128xi32, #tpu.memory_space<hbm>>
      %dma_start3A_190 = tpu.memref_slice %arg4[%add3A_188] : memref<161920xi32, #tpu.memory_space<hbm>> -> memref<128xi32, #tpu.memory_space<hbm>>
      tpu.enqueue_dma source(%dma_start3A_190 : memref<128xi32, #tpu.memory_space<hbm>>) target(%arg11 : memref<128xi32, #tpu.memory_space<vmem>>) target_semaphore(%arg18 : memref<!tpu.dma_semaphore, #tpu.memory_space<semaphore_mem>>)
      %dma_wait3A_191 = arith.constant 0 : i32
      %dma_wait3A_192 = arith.constant 0 : i32
      %dma_wait3A_193 = tpu.memref_slice %arg14[%dma_wait3A_191, %dma_wait3A_192] : memref<10112x128xf32, #tpu.memory_space<vmem_shared>> -> memref<10112x128xf32, #tpu.memory_space<vmem_shared>>
      tpu.wait_indirect_dma semaphore(%arg19 : memref<!tpu.dma_semaphore, #tpu.memory_space<semaphore_mem>>) src(%arg12 : memref<128x128xf32, #tpu.memory_space<vmem>>) dst(%dma_wait3A_193 : memref<10112x128xf32, #tpu.memory_space<vmem_shared>>)
      %dma_wait3A_194 = arith.constant 0 : i32
      %dma_wait3A_195 = arith.constant 0 : i32
      %dma_wait3A_196 = tpu.memref_slice %arg2[%dma_wait3A_194, %dma_wait3A_195] : memref<20224x128xf32, #tpu.memory_space<hbm>> -> memref<20224x128xf32, #tpu.memory_space<hbm>>
      tpu.wait_indirect_dma semaphore(%arg16 : memref<!tpu.dma_semaphore, #tpu.memory_space<semaphore_mem>>) src(%dma_wait3A_196 : memref<20224x128xf32, #tpu.memory_space<hbm>>) dst(%arg13 : memref<128x128xf32, #tpu.memory_space<vmem>>)
      %dma_wait3A_197 = arith.constant 0 : i32
      %dma_wait3A_198 = tpu.memref_slice %arg4[%dma_wait3A_197] : memref<161920xi32, #tpu.memory_space<hbm>> -> memref<128xi32, #tpu.memory_space<hbm>>
      %dma_wait3A_199 = arith.constant 0 : i32
      %dma_wait3A_200 = tpu.memref_slice %arg4[%dma_wait3A_199] : memref<161920xi32, #tpu.memory_space<hbm>> -> memref<128xi32, #tpu.memory_space<hbm>>
      tpu.wait_dma2 semaphore(%arg18 : memref<!tpu.dma_semaphore, #tpu.memory_space<semaphore_mem>>) src(%dma_wait3A_200 : memref<128xi32, #tpu.memory_space<hbm>>) dst(%arg11 : memref<128xi32, #tpu.memory_space<vmem>>)
      %dma_start3A_201 = arith.constant 0 : i32
      %dma_start3A_202 = arith.constant 0 : i32
      %dma_start3A_203 = tpu.memref_slice %arg14[%dma_start3A_201, %dma_start3A_202] : memref<10112x128xf32, #tpu.memory_space<vmem_shared>> -> memref<10112x128xf32, #tpu.memory_space<vmem_shared>>
      tpu.enqueue_indirect_dma source(%arg13 : memref<128x128xf32, #tpu.memory_space<vmem>>) target(%dma_start3A_203 : memref<10112x128xf32, #tpu.memory_space<vmem_shared>>) offsets(%arg11 : memref<128xi32, #tpu.memory_space<vmem>>) semaphore(%arg20 : memref<!tpu.dma_semaphore, #tpu.memory_space<semaphore_mem>>) {add = true}
      %add3A_204 = arith.constant 2 : i32
      %add3A_205 = arith.addi %mul3A_94, %add3A_204 : i32
      %mul3A_206 = arith.constant 128 : i32
      %mul3A_207 = arith.muli %add3A_205, %mul3A_206 : i32
      %add3A_208 = arith.constant 0 : i32
      %add3A_209 = arith.addi %mul3A_207, %add3A_208 : i32
      %get3A_210 = arith.index_cast %add3A_209 : i32 to index
      %get3A_211 = tpu.vector_load %arg7[%get3A_210] {strides = array<i32>} : memref<10240xi32, #tpu.memory_space<vmem>>, vector<16xi32>,
      %get3A_212 = vector.shape_cast %get3A_211 : vector<16xi32> to vector<16xi32>
      %swap3A_213 = arith.constant 0 : index
      %swap3A_214 = tpu.vector_load %arg8[%swap3A_213] {strides = array<i32>} : memref<128xi32, #tpu.memory_space<vmem>>, vector<16xi32>,
      %swap3A_215 = vector.shape_cast %swap3A_214 : vector<16xi32> to vector<16xi32>
      %swap3A_216 = vector.shape_cast %get3A_212 : vector<16xi32> to vector<16xi32>
      tpu.vector_store %arg8[%swap3A_213], %swap3A_216 {strides = array<i32>} : memref<128xi32, #tpu.memory_space<vmem>>, vector<16xi32>,
      %add3A_217 = arith.constant 16 : i32
      %add3A_218 = arith.addi %mul3A_207, %add3A_217 : i32
      %get3A_219 = arith.index_cast %add3A_218 : i32 to index
      %get3A_220 = tpu.vector_load %arg7[%get3A_219] {strides = array<i32>} : memref<10240xi32, #tpu.memory_space<vmem>>, vector<16xi32>,
      %get3A_221 = vector.shape_cast %get3A_220 : vector<16xi32> to vector<16xi32>
      %swap3A_222 = arith.constant 16 : index
      %swap3A_223 = tpu.vector_load %arg8[%swap3A_222] {strides = array<i32>} : memref<128xi32, #tpu.memory_space<vmem>>, vector<16xi32>,
      %swap3A_224 = vector.shape_cast %swap3A_223 : vector<16xi32> to vector<16xi32>
      %swap3A_225 = vector.shape_cast %get3A_221 : vector<16xi32> to vector<16xi32>
      tpu.vector_store %arg8[%swap3A_222], %swap3A_225 {strides = array<i32>} : memref<128xi32, #tpu.memory_space<vmem>>, vector<16xi32>,
      %add3A_226 = arith.constant 32 : i32
      %add3A_227 = arith.addi %mul3A_207, %add3A_226 : i32
      %get3A_228 = arith.index_cast %add3A_227 : i32 to index
      %get3A_229 = tpu.vector_load %arg7[%get3A_228] {strides = array<i32>} : memref<10240xi32, #tpu.memory_space<vmem>>, vector<16xi32>,
      %get3A_230 = vector.shape_cast %get3A_229 : vector<16xi32> to vector<16xi32>
      %swap3A_231 = arith.constant 32 : index
      %swap3A_232 = tpu.vector_load %arg8[%swap3A_231] {strides = array<i32>} : memref<128xi32, #tpu.memory_space<vmem>>, vector<16xi32>,
      %swap3A_233 = vector.shape_cast %swap3A_232 : vector<16xi32> to vector<16xi32>
      %swap3A_234 = vector.shape_cast %get3A_230 : vector<16xi32> to vector<16xi32>
      tpu.vector_store %arg8[%swap3A_231], %swap3A_234 {strides = array<i32>} : memref<128xi32, #tpu.memory_space<vmem>>, vector<16xi32>,
      %add3A_235 = arith.constant 48 : i32
      %add3A_236 = arith.addi %mul3A_207, %add3A_235 : i32
      %get3A_237 = arith.index_cast %add3A_236 : i32 to index
      %get3A_238 = tpu.vector_load %arg7[%get3A_237] {strides = array<i32>} : memref<10240xi32, #tpu.memory_space<vmem>>, vector<16xi32>,
      %get3A_239 = vector.shape_cast %get3A_238 : vector<16xi32> to vector<16xi32>
      %swap3A_240 = arith.constant 48 : index
      %swap3A_241 = tpu.vector_load %arg8[%swap3A_240] {strides = array<i32>} : memref<128xi32, #tpu.memory_space<vmem>>, vector<16xi32>,
      %swap3A_242 = vector.shape_cast %swap3A_241 : vector<16xi32> to vector<16xi32>
      %swap3A_243 = vector.shape_cast %get3A_239 : vector<16xi32> to vector<16xi32>
      tpu.vector_store %arg8[%swap3A_240], %swap3A_243 {strides = array<i32>} : memref<128xi32, #tpu.memory_space<vmem>>, vector<16xi32>,
      %add3A_244 = arith.constant 64 : i32
      %add3A_245 = arith.addi %mul3A_207, %add3A_244 : i32
      %get3A_246 = arith.index_cast %add3A_245 : i32 to index
      %get3A_247 = tpu.vector_load %arg7[%get3A_246] {strides = array<i32>} : memref<10240xi32, #tpu.memory_space<vmem>>, vector<16xi32>,
      %get3A_248 = vector.shape_cast %get3A_247 : vector<16xi32> to vector<16xi32>
      %swap3A_249 = arith.constant 64 : index
      %swap3A_250 = tpu.vector_load %arg8[%swap3A_249] {strides = array<i32>} : memref<128xi32, #tpu.memory_space<vmem>>, vector<16xi32>,
      %swap3A_251 = vector.shape_cast %swap3A_250 : vector<16xi32> to vector<16xi32>
      %swap3A_252 = vector.shape_cast %get3A_248 : vector<16xi32> to vector<16xi32>
      tpu.vector_store %arg8[%swap3A_249], %swap3A_252 {strides = array<i32>} : memref<128xi32, #tpu.memory_space<vmem>>, vector<16xi32>,
      %add3A_253 = arith.constant 80 : i32
      %add3A_254 = arith.addi %mul3A_207, %add3A_253 : i32
      %get3A_255 = arith.index_cast %add3A_254 : i32 to index
      %get3A_256 = tpu.vector_load %arg7[%get3A_255] {strides = array<i32>} : memref<10240xi32, #tpu.memory_space<vmem>>, vector<16xi32>,
      %get3A_257 = vector.shape_cast %get3A_256 : vector<16xi32> to vector<16xi32>
      %swap3A_258 = arith.constant 80 : index
      %swap3A_259 = tpu.vector_load %arg8[%swap3A_258] {strides = array<i32>} : memref<128xi32, #tpu.memory_space<vmem>>, vector<16xi32>,
      %swap3A_260 = vector.shape_cast %swap3A_259 : vector<16xi32> to vector<16xi32>
      %swap3A_261 = vector.shape_cast %get3A_257 : vector<16xi32> to vector<16xi32>
      tpu.vector_store %arg8[%swap3A_258], %swap3A_261 {strides = array<i32>} : memref<128xi32, #tpu.memory_space<vmem>>, vector<16xi32>,
      %add3A_262 = arith.constant 96 : i32
      %add3A_263 = arith.addi %mul3A_207, %add3A_262 : i32
      %get3A_264 = arith.index_cast %add3A_263 : i32 to index
      %get3A_265 = tpu.vector_load %arg7[%get3A_264] {strides = array<i32>} : memref<10240xi32, #tpu.memory_space<vmem>>, vector<16xi32>,
      %get3A_266 = vector.shape_cast %get3A_265 : vector<16xi32> to vector<16xi32>
      %swap3A_267 = arith.constant 96 : index
      %swap3A_268 = tpu.vector_load %arg8[%swap3A_267] {strides = array<i32>} : memref<128xi32, #tpu.memory_space<vmem>>, vector<16xi32>,
      %swap3A_269 = vector.shape_cast %swap3A_268 : vector<16xi32> to vector<16xi32>
      %swap3A_270 = vector.shape_cast %get3A_266 : vector<16xi32> to vector<16xi32>
      tpu.vector_store %arg8[%swap3A_267], %swap3A_270 {strides = array<i32>} : memref<128xi32, #tpu.memory_space<vmem>>, vector<16xi32>,
      %add3A_271 = arith.constant 112 : i32
      %add3A_272 = arith.addi %mul3A_207, %add3A_271 : i32
      %get3A_273 = arith.index_cast %add3A_272 : i32 to index
      %get3A_274 = tpu.vector_load %arg7[%get3A_273] {strides = array<i32>} : memref<10240xi32, #tpu.memory_space<vmem>>, vector<16xi32>,
      %get3A_275 = vector.shape_cast %get3A_274 : vector<16xi32> to vector<16xi32>
      %swap3A_276 = arith.constant 112 : index
      %swap3A_277 = tpu.vector_load %arg8[%swap3A_276] {strides = array<i32>} : memref<128xi32, #tpu.memory_space<vmem>>, vector<16xi32>,
      %swap3A_278 = vector.shape_cast %swap3A_277 : vector<16xi32> to vector<16xi32>
      %swap3A_279 = vector.shape_cast %get3A_275 : vector<16xi32> to vector<16xi32>
      tpu.vector_store %arg8[%swap3A_276], %swap3A_279 {strides = array<i32>} : memref<128xi32, #tpu.memory_space<vmem>>, vector<16xi32>,
      %dma_start3A_280 = arith.constant 0 : i32
      %dma_start3A_281 = arith.constant 0 : i32
      %dma_start3A_282 = tpu.memref_slice %arg2[%dma_start3A_280, %dma_start3A_281] : memref<20224x128xf32, #tpu.memory_space<hbm>> -> memref<20224x128xf32, #tpu.memory_space<hbm>>
      tpu.enqueue_indirect_dma source(%dma_start3A_282 : memref<20224x128xf32, #tpu.memory_space<hbm>>) target(%arg12 : memref<128x128xf32, #tpu.memory_space<vmem>>) offsets(%arg8 : memref<128xi32, #tpu.memory_space<vmem>>) semaphore(%arg15 : memref<!tpu.dma_semaphore, #tpu.memory_space<semaphore_mem>>)
      %add3A_283 = arith.constant 2 : i32
      %add3A_284 = arith.addi %mul3A_94, %add3A_283 : i32
      %mul3A_285 = arith.constant 128 : i32
      %mul3A_286 = arith.muli %add3A_284, %mul3A_285 : i32
      %add3A_287 = arith.addi %mul3A_4, %mul3A_286 : i32
      %dma_start3A_288 = tpu.memref_slice %arg4[%add3A_287] : memref<161920xi32, #tpu.memory_space<hbm>> -> memref<128xi32, #tpu.memory_space<hbm>>
      %dma_start3A_289 = tpu.memref_slice %arg4[%add3A_287] : memref<161920xi32, #tpu.memory_space<hbm>> -> memref<128xi32, #tpu.memory_space<hbm>>
      tpu.enqueue_dma source(%dma_start3A_289 : memref<128xi32, #tpu.memory_space<hbm>>) target(%arg10 : memref<128xi32, #tpu.memory_space<vmem>>) target_semaphore(%arg17 : memref<!tpu.dma_semaphore, #tpu.memory_space<semaphore_mem>>)
      %dma_wait3A_290 = arith.constant 0 : i32
      %dma_wait3A_291 = arith.constant 0 : i32
      %dma_wait3A_292 = tpu.memref_slice %arg14[%dma_wait3A_290, %dma_wait3A_291] : memref<10112x128xf32, #tpu.memory_space<vmem_shared>> -> memref<10112x128xf32, #tpu.memory_space<vmem_shared>>
      tpu.wait_indirect_dma semaphore(%arg20 : memref<!tpu.dma_semaphore, #tpu.memory_space<semaphore_mem>>) src(%arg13 : memref<128x128xf32, #tpu.memory_space<vmem>>) dst(%dma_wait3A_292 : memref<10112x128xf32, #tpu.memory_space<vmem_shared>>)
    }
    %scan3A_71 = arith.constant 39 : i32
    %dma_wait3A = arith.constant 0 : i32
    %dma_wait3A_72 = arith.constant 0 : i32
    %dma_wait3A_73 = tpu.memref_slice %arg2[%dma_wait3A, %dma_wait3A_72] : memref<20224x128xf32, #tpu.memory_space<hbm>> -> memref<20224x128xf32, #tpu.memory_space<hbm>>
    tpu.wait_indirect_dma semaphore(%arg15 : memref<!tpu.dma_semaphore, #tpu.memory_space<semaphore_mem>>) src(%dma_wait3A_73 : memref<20224x128xf32, #tpu.memory_space<hbm>>) dst(%arg12 : memref<128x128xf32, #tpu.memory_space<vmem>>)
    %dma_wait3A_74 = arith.constant 0 : i32
    %dma_wait3A_75 = tpu.memref_slice %arg4[%dma_wait3A_74] : memref<161920xi32, #tpu.memory_space<hbm>> -> memref<128xi32, #tpu.memory_space<hbm>>
    %dma_wait3A_76 = arith.constant 0 : i32
    %dma_wait3A_77 = tpu.memref_slice %arg4[%dma_wait3A_76] : memref<161920xi32, #tpu.memory_space<hbm>> -> memref<128xi32, #tpu.memory_space<hbm>>
    tpu.wait_dma2 semaphore(%arg17 : memref<!tpu.dma_semaphore, #tpu.memory_space<semaphore_mem>>) src(%dma_wait3A_77 : memref<128xi32, #tpu.memory_space<hbm>>) dst(%arg10 : memref<128xi32, #tpu.memory_space<vmem>>)
    %dma_start3A_78 = arith.constant 0 : i32
    %dma_start3A_79 = arith.constant 0 : i32
    %dma_start3A_80 = tpu.memref_slice %arg14[%dma_start3A_78, %dma_start3A_79] : memref<10112x128xf32, #tpu.memory_space<vmem_shared>> -> memref<10112x128xf32, #tpu.memory_space<vmem_shared>>
    tpu.enqueue_indirect_dma source(%arg12 : memref<128x128xf32, #tpu.memory_space<vmem>>) target(%dma_start3A_80 : memref<10112x128xf32, #tpu.memory_space<vmem_shared>>) offsets(%arg10 : memref<128xi32, #tpu.memory_space<vmem>>) semaphore(%arg19 : memref<!tpu.dma_semaphore, #tpu.memory_space<semaphore_mem>>) {add = true}
    %dma_wait3A_81 = arith.constant 0 : i32
    %dma_wait3A_82 = arith.constant 0 : i32
    %dma_wait3A_83 = tpu.memref_slice %arg14[%dma_wait3A_81, %dma_wait3A_82] : memref<10112x128xf32, #tpu.memory_space<vmem_shared>> -> memref<10112x128xf32, #tpu.memory_space<vmem_shared>>
    tpu.wait_indirect_dma semaphore(%arg19 : memref<!tpu.dma_semaphore, #tpu.memory_space<semaphore_mem>>) src(%arg12 : memref<128x128xf32, #tpu.memory_space<vmem>>) dst(%dma_wait3A_83 : memref<10112x128xf32, #tpu.memory_space<vmem_shared>>)
    %barrier3A_84 = arith.constant 0 : index
    tpu.barrier barrier_id(%barrier3A_84)
    %mul3A_85 = arith.constant 632 : i32
    %mul3A_86 = arith.muli %arg1, %mul3A_85 : i32
    %mul3A_87 = arith.constant 10112 : i32
    %mul3A_88 = arith.muli %arg0, %mul3A_87 : i32
    %mul3A_89 = arith.constant 632 : i32
    %mul3A_90 = arith.muli %arg1, %mul3A_89 : i32
    %add3A_91 = arith.addi %mul3A_88, %mul3A_90 : i32
    "tpu.region"() ({
      %run_scoped3A = tpu.sem_alloc : memref<!tpu.dma_semaphore, #tpu.memory_space<semaphore_mem>>
      %dma_start3A_92 = arith.constant 0 : i32
      %dma_start3A_93 = tpu.memref_slice %arg6[%add3A_91, %dma_start3A_92] : memref<20224x128xf32, #tpu.memory_space<hbm>> -> memref<632x128xf32, #tpu.memory_space<hbm>>
      %dma_start3A_94 = arith.constant 0 : i32
      %dma_start3A_95 = tpu.memref_slice %arg14[%mul3A_86, %dma_start3A_94] : memref<10112x128xf32, #tpu.memory_space<vmem_shared>> -> memref<632x128xf32, #tpu.memory_space<vmem_shared>>
      tpu.enqueue_dma source(%dma_start3A_95 : memref<632x128xf32, #tpu.memory_space<vmem_shared>>) target(%dma_start3A_93 : memref<632x128xf32, #tpu.memory_space<hbm>>) target_semaphore(%run_scoped3A : memref<!tpu.dma_semaphore, #tpu.memory_space<semaphore_mem>>)
      %dma_wait3A_96 = arith.constant 0 : i32
      %dma_wait3A_97 = tpu.memref_slice %arg6[%add3A_91, %dma_wait3A_96] : memref<20224x128xf32, #tpu.memory_space<hbm>> -> memref<632x128xf32, #tpu.memory_space<hbm>>
      %dma_wait3A_98 = arith.constant 0 : i32
      %dma_wait3A_99 = tpu.memref_slice %arg14[%mul3A_86, %dma_wait3A_98] : memref<10112x128xf32, #tpu.memory_space<vmem_shared>> -> memref<632x128xf32, #tpu.memory_space<vmem_shared>>
      tpu.wait_dma2 semaphore(%run_scoped3A : memref<!tpu.dma_semaphore, #tpu.memory_space<semaphore_mem>>) src(%dma_wait3A_99 : memref<632x128xf32, #tpu.memory_space<vmem_shared>>) dst(%dma_wait3A_97 : memref<632x128xf32, #tpu.memory_space<hbm>>)
      tpu.yield
    }) : () -> ()
    return
  }
}

module attributes {stable_mosaic.version = 14 : i64} {
  func.func @body(%arg0: i32, %arg1: i32, %arg2: memref<632x256xf32, #tpu.memory_space<vmem>>, %arg3: memref<632x128xf32, #tpu.memory_space<vmem>>, %arg4: memref<256x128xf32, #tpu.memory_space<vmem>>, %arg5: memref<632x128xf32, #tpu.memory_space<vmem>>) attributes {dimension_semantics = [#tpu.dimension_semantics<arbitrary>, #tpu.dimension_semantics<arbitrary>], iteration_bounds = array<i64: 2, 16>, scalar_prefetch = 0 : i64, scratch_operands = 0 : i64, tpu.core_type = #tpu.core_type<tc>, window_params = [{transform_indices = @transform_0, window_bounds = array<i64: 632, 256>}, {transform_indices = @transform_1, window_bounds = array<i64: 632, 128>}, {transform_indices = @transform_2, window_bounds = array<i64: 256, 128>}, {transform_indices = @transform_3, window_bounds = array<i64: 632, 128>}]} {
    %get3A = arith.constant 0 : index
    %get3A_0 = arith.constant 0 : index
    %get3A_1 = vector.load %arg3[%get3A, %get3A_0] : memref<632x128xf32, #tpu.memory_space<vmem>>, vector<632x1xf32>
    %max3A = arith.constant 1.000000e+00 : f32
    %max3A_2 = vector.broadcast %max3A : f32 to vector<632x1xf32>
    %max3A_3 = arith.maximumf %get3A_1, %max3A_2 : vector<632x1xf32>
    %rsqrt3A = math.rsqrt %max3A_3 : vector<632x1xf32>
    %get3A_4 = arith.constant 0 : index
    %get3A_5 = arith.constant 0 : index
    %get3A_6 = vector.load %arg2[%get3A_4, %get3A_5] : memref<632x256xf32, #tpu.memory_space<vmem>>, vector<632x256xf32>
    %mul3A = vector.broadcast %rsqrt3A : vector<632x1xf32> to vector<632x256xf32>
    %mul3A_7 = arith.mulf %get3A_6, %mul3A : vector<632x256xf32>
    %get3A_8 = arith.constant 0 : index
    %get3A_9 = arith.constant 0 : index
    %get3A_10 = vector.load %arg4[%get3A_8, %get3A_9] : memref<256x128xf32, #tpu.memory_space<vmem>>, vector<256x128xf32>
    %dot_general3A = arith.constant dense<0.000000e+00> : vector<632x128xf32>
    %dot_general3A_11 = tpu.matmul %mul3A_7, %get3A_10, %dot_general3A {dimension_numbers = #tpu.dot_dimension_numbers<[1], [0], [0], [1], [0, 0, 1, 1], [], []>, transpose_lhs_hint = false} : vector<632x256xf32>, vector<256x128xf32>, vector<632x128xf32> -> vector<632x128xf32>
    %swap3A = arith.constant 0 : index
    %swap3A_12 = arith.constant 0 : index
    %swap3A_13 = vector.load %arg5[%swap3A, %swap3A_12] : memref<632x128xf32, #tpu.memory_space<vmem>>, vector<632x128xf32>
    tpu.vector_store %arg5[%swap3A, %swap3A_12], %dot_general3A_11 {strides = array<i32>} : memref<632x128xf32, #tpu.memory_space<vmem>>, vector<632x128xf32>,
    return
  }
  func.func @transform_0(%arg0: i32, %arg1: i32) -> (i32, i32) {
    %c0_i32 = arith.constant 0 : i32
    %c0_i32_0 = arith.constant 0 : i32
    return %arg1, %c0_i32 : i32, i32
  }
  func.func @transform_1(%arg0: i32, %arg1: i32) -> (i32, i32) {
    %c0_i32 = arith.constant 0 : i32
    %c0_i32_0 = arith.constant 0 : i32
    return %arg1, %c0_i32 : i32, i32
  }
  func.func @transform_2(%arg0: i32, %arg1: i32) -> (i32, i32) {
    %c0_i32 = arith.constant 0 : i32
    %c0_i32_0 = arith.constant 0 : i32
    return %c0_i32, %arg0 : i32, i32
  }
  func.func @transform_3(%arg0: i32, %arg1: i32) -> (i32, i32) {
    %mul3A = arith.constant 16 : i32
    %mul3A_0 = arith.muli %arg0, %mul3A : i32
    %add3A = arith.addi %mul3A_0, %arg1 : i32
    %c0_i32 = arith.constant 0 : i32
    %c0_i32_1 = arith.constant 0 : i32
    return %add3A, %c0_i32 : i32, i32
  }
}

module attributes {stable_mosaic.version = 14 : i64} {
  func.func @body(%arg0: i32, %arg1: i32, %arg2: memref<632x128xf32, #tpu.memory_space<vmem>>, %arg3: memref<632x128xf32, #tpu.memory_space<vmem>>, %arg4: memref<632x128xf32, #tpu.memory_space<vmem>>, %arg5: memref<632x128xf32, #tpu.memory_space<vmem>>, %arg6: memref<1x256xf32, #tpu.memory_space<vmem>>, %arg7: memref<256x128xf32, #tpu.memory_space<vmem>>, %arg8: memref<632x128xf32, #tpu.memory_space<vmem>>) attributes {dimension_semantics = [#tpu.dimension_semantics<arbitrary>, #tpu.dimension_semantics<arbitrary>], iteration_bounds = array<i64: 2, 16>, scalar_prefetch = 0 : i64, scratch_operands = 0 : i64, tpu.core_type = #tpu.core_type<tc>, window_params = [{transform_indices = @transform_0, window_bounds = array<i64: 632, 128>}, {transform_indices = @transform_1, window_bounds = array<i64: 632, 128>}, {transform_indices = @transform_2, window_bounds = array<i64: 632, 128>}, {transform_indices = @transform_3, window_bounds = array<i64: 632, 128>}, {pipeline_mode = #tpu.pipeline_mode<synchronous>, transform_indices = @transform_4, window_bounds = array<i64: 1, 256>}, {transform_indices = @transform_5, window_bounds = array<i64: 256, 128>}, {transform_indices = @transform_6, window_bounds = array<i64: 632, 128>}]} {
    %get3A = arith.constant 0 : index
    %get3A_0 = arith.constant 0 : index
    %get3A_1 = vector.load %arg4[%get3A, %get3A_0] : memref<632x128xf32, #tpu.memory_space<vmem>>, vector<632x1xf32>
    %max3A = arith.constant 1.000000e+00 : f32
    %max3A_2 = vector.broadcast %max3A : f32 to vector<632x1xf32>
    %max3A_3 = arith.maximumf %get3A_1, %max3A_2 : vector<632x1xf32>
    %rsqrt3A = math.rsqrt %max3A_3 : vector<632x1xf32>
    %get3A_4 = arith.constant 0 : index
    %get3A_5 = arith.constant 0 : index
    %get3A_6 = vector.load %arg5[%get3A_4, %get3A_5] : memref<632x128xf32, #tpu.memory_space<vmem>>, vector<632x1xf32>
    %max3A_7 = arith.constant 1.000000e+00 : f32
    %max3A_8 = vector.broadcast %max3A_7 : f32 to vector<632x1xf32>
    %max3A_9 = arith.maximumf %get3A_6, %max3A_8 : vector<632x1xf32>
    %rsqrt3A_10 = math.rsqrt %max3A_9 : vector<632x1xf32>
    %get3A_11 = arith.constant 0 : index
    %get3A_12 = arith.constant 0 : index
    %get3A_13 = vector.load %arg2[%get3A_11, %get3A_12] : memref<632x128xf32, #tpu.memory_space<vmem>>, vector<632x128xf32>
    %mul3A = vector.broadcast %rsqrt3A : vector<632x1xf32> to vector<632x128xf32>
    %mul3A_14 = arith.mulf %get3A_13, %mul3A : vector<632x128xf32>
    %get3A_15 = arith.constant 0 : index
    %get3A_16 = arith.constant 0 : index
    %get3A_17 = vector.load %arg6[%get3A_15, %get3A_16] : memref<1x256xf32, #tpu.memory_space<vmem>>, vector<1x128xf32>
    %add3A = vector.broadcast %get3A_17 : vector<1x128xf32> to vector<632x128xf32>
    %add3A_18 = arith.addf %mul3A_14, %add3A : vector<632x128xf32>
    %max3A_19 = arith.constant 0.000000e+00 : f32
    %max3A_20 = vector.broadcast %max3A_19 : f32 to vector<632x128xf32>
    %max3A_21 = arith.maximumf %add3A_18, %max3A_20 : vector<632x128xf32>
    %mul3A_22 = vector.broadcast %rsqrt3A_10 : vector<632x1xf32> to vector<632x128xf32>
    %mul3A_23 = arith.mulf %max3A_21, %mul3A_22 : vector<632x128xf32>
    %get3A_24 = arith.constant 0 : index
    %get3A_25 = arith.constant 0 : index
    %get3A_26 = vector.load %arg3[%get3A_24, %get3A_25] : memref<632x128xf32, #tpu.memory_space<vmem>>, vector<632x128xf32>
    %mul3A_27 = vector.broadcast %rsqrt3A : vector<632x1xf32> to vector<632x128xf32>
    %mul3A_28 = arith.mulf %get3A_26, %mul3A_27 : vector<632x128xf32>
    %get3A_29 = arith.constant 0 : index
    %get3A_30 = arith.constant 128 : index
    %get3A_31 = vector.load %arg6[%get3A_29, %get3A_30] : memref<1x256xf32, #tpu.memory_space<vmem>>, vector<1x128xf32>
    %add3A_32 = vector.broadcast %get3A_31 : vector<1x128xf32> to vector<632x128xf32>
    %add3A_33 = arith.addf %mul3A_28, %add3A_32 : vector<632x128xf32>
    %max3A_34 = arith.constant 0.000000e+00 : f32
    %max3A_35 = vector.broadcast %max3A_34 : f32 to vector<632x128xf32>
    %max3A_36 = arith.maximumf %add3A_33, %max3A_35 : vector<632x128xf32>
    %mul3A_37 = vector.broadcast %rsqrt3A_10 : vector<632x1xf32> to vector<632x128xf32>
    %mul3A_38 = arith.mulf %max3A_36, %mul3A_37 : vector<632x128xf32>
    %get3A_39 = arith.constant 0 : index
    %get3A_40 = arith.constant 0 : index
    %get3A_41 = vector.load %arg7[%get3A_39, %get3A_40] : memref<256x128xf32, #tpu.memory_space<vmem>>, vector<128x128xf32>
    %dot_general3A = arith.constant dense<0.000000e+00> : vector<632x128xf32>
    %dot_general3A_42 = tpu.matmul %mul3A_23, %get3A_41, %dot_general3A {dimension_numbers = #tpu.dot_dimension_numbers<[1], [0], [0], [1], [0, 0, 1, 1], [], []>, transpose_lhs_hint = false} : vector<632x128xf32>, vector<128x128xf32>, vector<632x128xf32> -> vector<632x128xf32>
    %get3A_43 = arith.constant 128 : index
    %get3A_44 = arith.constant 0 : index
    %get3A_45 = vector.load %arg7[%get3A_43, %get3A_44] : memref<256x128xf32, #tpu.memory_space<vmem>>, vector<128x128xf32>
    %dot_general3A_46 = arith.constant dense<0.000000e+00> : vector<632x128xf32>
    %dot_general3A_47 = tpu.matmul %mul3A_38, %get3A_45, %dot_general3A_46 {dimension_numbers = #tpu.dot_dimension_numbers<[1], [0], [0], [1], [0, 0, 1, 1], [], []>, transpose_lhs_hint = false} : vector<632x128xf32>, vector<128x128xf32>, vector<632x128xf32> -> vector<632x128xf32>
    %add3A_48 = arith.addf %dot_general3A_42, %dot_general3A_47 : vector<632x128xf32>
    %swap3A = arith.constant 0 : index
    %swap3A_49 = arith.constant 0 : index
    %swap3A_50 = vector.load %arg8[%swap3A, %swap3A_49] : memref<632x128xf32, #tpu.memory_space<vmem>>, vector<632x128xf32>
    tpu.vector_store %arg8[%swap3A, %swap3A_49], %add3A_48 {strides = array<i32>} : memref<632x128xf32, #tpu.memory_space<vmem>>, vector<632x128xf32>,
    return
  }
  func.func @transform_0(%arg0: i32, %arg1: i32) -> (i32, i32) {
    %c0_i32 = arith.constant 0 : i32
    %c0_i32_0 = arith.constant 0 : i32
    return %arg1, %c0_i32 : i32, i32
  }
  func.func @transform_1(%arg0: i32, %arg1: i32) -> (i32, i32) {
    %add3A = arith.constant 16 : i32
    %add3A_0 = arith.addi %arg1, %add3A : i32
    %c0_i32 = arith.constant 0 : i32
    %c0_i32_1 = arith.constant 0 : i32
    return %add3A_0, %c0_i32 : i32, i32
  }
  func.func @transform_2(%arg0: i32, %arg1: i32) -> (i32, i32) {
    %add3A = arith.constant 16 : i32
    %add3A_0 = arith.addi %arg1, %add3A : i32
    %c0_i32 = arith.constant 0 : i32
    %c0_i32_1 = arith.constant 0 : i32
    return %add3A_0, %c0_i32 : i32, i32
  }
  func.func @transform_3(%arg0: i32, %arg1: i32) -> (i32, i32) {
    %c0_i32 = arith.constant 0 : i32
    %c0_i32_0 = arith.constant 0 : i32
    return %arg1, %c0_i32 : i32, i32
  }
  func.func @transform_4(%arg0: i32, %arg1: i32) -> (i32, i32) {
    %c0_i32 = arith.constant 0 : i32
    %c0_i32_0 = arith.constant 0 : i32
    %c0_i32_1 = arith.constant 0 : i32
    return %c0_i32, %c0_i32_0 : i32, i32
  }
  func.func @transform_5(%arg0: i32, %arg1: i32) -> (i32, i32) {
    %c0_i32 = arith.constant 0 : i32
    %c0_i32_0 = arith.constant 0 : i32
    return %c0_i32, %arg0 : i32, i32
  }
  func.func @transform_6(%arg0: i32, %arg1: i32) -> (i32, i32) {
    %mul3A = arith.constant 16 : i32
    %mul3A_0 = arith.muli %arg0, %mul3A : i32
    %add3A = arith.addi %mul3A_0, %arg1 : i32
    %c0_i32 = arith.constant 0 : i32
    %c0_i32_1 = arith.constant 0 : i32
    return %add3A, %c0_i32 : i32, i32
  }
}

module attributes {stable_mosaic.version = 14 : i64} {
  func.func @body(%arg0: i32, %arg1: memref<632x128xf32, #tpu.memory_space<vmem>>, %arg2: memref<632x128xf32, #tpu.memory_space<vmem>>, %arg3: memref<632x128xf32, #tpu.memory_space<vmem>>, %arg4: memref<1x256xf32, #tpu.memory_space<vmem>>, %arg5: memref<256x256xf32, #tpu.memory_space<vmem>>, %arg6: memref<1x256xf32, #tpu.memory_space<vmem>>, %arg7: memref<256x256xf32, #tpu.memory_space<vmem>>, %arg8: memref<1x256xf32, #tpu.memory_space<vmem>>, %arg9: memref<256x16xf32, #tpu.memory_space<vmem>>, %arg10: memref<1x16xf32, #tpu.memory_space<vmem>>, %arg11: memref<632x16xf32, #tpu.memory_space<vmem>>, %arg12: memref<632x256xf32, #tpu.memory_space<vmem>>) attributes {dimension_semantics = [#tpu.dimension_semantics<arbitrary>], iteration_bounds = array<i64: 16>, scalar_prefetch = 0 : i64, scratch_operands = 0 : i64, tpu.core_type = #tpu.core_type<tc>, window_params = [{transform_indices = @transform_0, window_bounds = array<i64: 632, 128>}, {transform_indices = @transform_1, window_bounds = array<i64: 632, 128>}, {transform_indices = @transform_2, window_bounds = array<i64: 632, 128>}, {pipeline_mode = #tpu.pipeline_mode<synchronous>, transform_indices = @transform_3, window_bounds = array<i64: 1, 256>}, {pipeline_mode = #tpu.pipeline_mode<synchronous>, transform_indices = @transform_4, window_bounds = array<i64: 256, 256>}, {pipeline_mode = #tpu.pipeline_mode<synchronous>, transform_indices = @transform_5, window_bounds = array<i64: 1, 256>}, {pipeline_mode = #tpu.pipeline_mode<synchronous>, transform_indices = @transform_6, window_bounds = array<i64: 256, 256>}, {pipeline_mode = #tpu.pipeline_mode<synchronous>, transform_indices = @transform_7, window_bounds = array<i64: 1, 256>}, {pipeline_mode = #tpu.pipeline_mode<synchronous>, transform_indices = @transform_8, window_bounds = array<i64: 256, 16>}, {pipeline_mode = #tpu.pipeline_mode<synchronous>, transform_indices = @transform_9, window_bounds = array<i64: 1, 16>}, {transform_indices = @transform_10, window_bounds = array<i64: 632, 16>}, {transform_indices = @transform_11, window_bounds = array<i64: 632, 256>}]} {
    %get3A = arith.constant 0 : index
    %get3A_0 = arith.constant 0 : index
    %get3A_1 = vector.load %arg3[%get3A, %get3A_0] : memref<632x128xf32, #tpu.memory_space<vmem>>, vector<632x1xf32>
    %max3A = arith.constant 1.000000e+00 : f32
    %max3A_2 = vector.broadcast %max3A : f32 to vector<632x1xf32>
    %max3A_3 = arith.maximumf %get3A_1, %max3A_2 : vector<632x1xf32>
    %rsqrt3A = math.rsqrt %max3A_3 : vector<632x1xf32>
    %get3A_4 = arith.constant 0 : index
    %get3A_5 = arith.constant 0 : index
    %get3A_6 = vector.load %arg1[%get3A_4, %get3A_5] : memref<632x128xf32, #tpu.memory_space<vmem>>, vector<632x128xf32>
    %mul3A = vector.broadcast %rsqrt3A : vector<632x1xf32> to vector<632x128xf32>
    %mul3A_7 = arith.mulf %get3A_6, %mul3A : vector<632x128xf32>
    %get3A_8 = arith.constant 0 : index
    %get3A_9 = arith.constant 0 : index
    %get3A_10 = vector.load %arg4[%get3A_8, %get3A_9] : memref<1x256xf32, #tpu.memory_space<vmem>>, vector<1x128xf32>
    %add3A = vector.broadcast %get3A_10 : vector<1x128xf32> to vector<632x128xf32>
    %add3A_11 = arith.addf %mul3A_7, %add3A : vector<632x128xf32>
    %max3A_12 = arith.constant 0.000000e+00 : f32
    %max3A_13 = vector.broadcast %max3A_12 : f32 to vector<632x128xf32>
    %max3A_14 = arith.maximumf %add3A_11, %max3A_13 : vector<632x128xf32>
    %get3A_15 = arith.constant 0 : index
    %get3A_16 = arith.constant 0 : index
    %get3A_17 = vector.load %arg2[%get3A_15, %get3A_16] : memref<632x128xf32, #tpu.memory_space<vmem>>, vector<632x128xf32>
    %mul3A_18 = vector.broadcast %rsqrt3A : vector<632x1xf32> to vector<632x128xf32>
    %mul3A_19 = arith.mulf %get3A_17, %mul3A_18 : vector<632x128xf32>
    %get3A_20 = arith.constant 0 : index
    %get3A_21 = arith.constant 128 : index
    %get3A_22 = vector.load %arg4[%get3A_20, %get3A_21] : memref<1x256xf32, #tpu.memory_space<vmem>>, vector<1x128xf32>
    %add3A_23 = vector.broadcast %get3A_22 : vector<1x128xf32> to vector<632x128xf32>
    %add3A_24 = arith.addf %mul3A_19, %add3A_23 : vector<632x128xf32>
    %max3A_25 = arith.constant 0.000000e+00 : f32
    %max3A_26 = vector.broadcast %max3A_25 : f32 to vector<632x128xf32>
    %max3A_27 = arith.maximumf %add3A_24, %max3A_26 : vector<632x128xf32>
    %concatenate3A = tpu.concatenate %max3A_14, %max3A_27 in 1 : vector<632x128xf32>, vector<632x128xf32> -> vector<632x256xf32>
    %get3A_28 = arith.constant 0 : index
    %get3A_29 = arith.constant 0 : index
    %get3A_30 = vector.load %arg5[%get3A_28, %get3A_29] : memref<256x256xf32, #tpu.memory_space<vmem>>, vector<256x256xf32>
    %dot_general3A = arith.constant dense<0.000000e+00> : vector<632x256xf32>
    %dot_general3A_31 = tpu.matmul %concatenate3A, %get3A_30, %dot_general3A {dimension_numbers = #tpu.dot_dimension_numbers<[1], [0], [0], [1], [0, 0, 1, 1], [], []>, transpose_lhs_hint = false} : vector<632x256xf32>, vector<256x256xf32>, vector<632x256xf32> -> vector<632x256xf32>
    %get3A_32 = arith.constant 0 : index
    %get3A_33 = arith.constant 0 : index
    %get3A_34 = vector.load %arg6[%get3A_32, %get3A_33] : memref<1x256xf32, #tpu.memory_space<vmem>>, vector<1x256xf32>
    %add3A_35 = vector.broadcast %get3A_34 : vector<1x256xf32> to vector<632x256xf32>
    %add3A_36 = arith.addf %dot_general3A_31, %add3A_35 : vector<632x256xf32>
    %max3A_37 = arith.constant 0.000000e+00 : f32
    %max3A_38 = vector.broadcast %max3A_37 : f32 to vector<632x256xf32>
    %max3A_39 = arith.maximumf %add3A_36, %max3A_38 : vector<632x256xf32>
    %get3A_40 = arith.constant 0 : index
    %get3A_41 = arith.constant 0 : index
    %get3A_42 = vector.load %arg7[%get3A_40, %get3A_41] : memref<256x256xf32, #tpu.memory_space<vmem>>, vector<256x256xf32>
    %dot_general3A_43 = arith.constant dense<0.000000e+00> : vector<632x256xf32>
    %dot_general3A_44 = tpu.matmul %max3A_39, %get3A_42, %dot_general3A_43 {dimension_numbers = #tpu.dot_dimension_numbers<[1], [0], [0], [1], [0, 0, 1, 1], [], []>, transpose_lhs_hint = false} : vector<632x256xf32>, vector<256x256xf32>, vector<632x256xf32> -> vector<632x256xf32>
    %get3A_45 = arith.constant 0 : index
    %get3A_46 = arith.constant 0 : index
    %get3A_47 = vector.load %arg8[%get3A_45, %get3A_46] : memref<1x256xf32, #tpu.memory_space<vmem>>, vector<1x256xf32>
    %add3A_48 = vector.broadcast %get3A_47 : vector<1x256xf32> to vector<632x256xf32>
    %add3A_49 = arith.addf %dot_general3A_44, %add3A_48 : vector<632x256xf32>
    %swap3A = arith.constant 0 : index
    %swap3A_50 = arith.constant 0 : index
    %swap3A_51 = vector.load %arg12[%swap3A, %swap3A_50] : memref<632x256xf32, #tpu.memory_space<vmem>>, vector<632x256xf32>
    tpu.vector_store %arg12[%swap3A, %swap3A_50], %add3A_49 {strides = array<i32>} : memref<632x256xf32, #tpu.memory_space<vmem>>, vector<632x256xf32>,
    %get3A_52 = arith.constant 0 : index
    %get3A_53 = arith.constant 0 : index
    %get3A_54 = vector.load %arg9[%get3A_52, %get3A_53] : memref<256x16xf32, #tpu.memory_space<vmem>>, vector<256x16xf32>
    %dot_general3A_55 = arith.constant dense<0.000000e+00> : vector<632x16xf32>
    %dot_general3A_56 = tpu.matmul %concatenate3A, %get3A_54, %dot_general3A_55 {dimension_numbers = #tpu.dot_dimension_numbers<[1], [0], [0], [1], [0, 0, 1, 1], [], []>, transpose_lhs_hint = false} : vector<632x256xf32>, vector<256x16xf32>, vector<632x16xf32> -> vector<632x16xf32>
    %get3A_57 = arith.constant 0 : index
    %get3A_58 = arith.constant 0 : index
    %get3A_59 = vector.load %arg10[%get3A_57, %get3A_58] : memref<1x16xf32, #tpu.memory_space<vmem>>, vector<1x16xf32>
    %add3A_60 = vector.broadcast %get3A_59 : vector<1x16xf32> to vector<632x16xf32>
    %add3A_61 = arith.addf %dot_general3A_56, %add3A_60 : vector<632x16xf32>
    %swap3A_62 = arith.constant 0 : index
    %swap3A_63 = arith.constant 0 : index
    %swap3A_64 = vector.load %arg11[%swap3A_62, %swap3A_63] : memref<632x16xf32, #tpu.memory_space<vmem>>, vector<632x16xf32>
    tpu.vector_store %arg11[%swap3A_62, %swap3A_63], %add3A_61 {strides = array<i32>} : memref<632x16xf32, #tpu.memory_space<vmem>>, vector<632x16xf32>,
    return
  }
  func.func @transform_0(%arg0: i32) -> (i32, i32) {
    %c0_i32 = arith.constant 0 : i32
    %c0_i32_0 = arith.constant 0 : i32
    return %arg0, %c0_i32 : i32, i32
  }
  func.func @transform_1(%arg0: i32) -> (i32, i32) {
    %add3A = arith.constant 16 : i32
    %add3A_0 = arith.addi %arg0, %add3A : i32
    %c0_i32 = arith.constant 0 : i32
    %c0_i32_1 = arith.constant 0 : i32
    return %add3A_0, %c0_i32 : i32, i32
  }
  func.func @transform_2(%arg0: i32) -> (i32, i32) {
    %add3A = arith.constant 16 : i32
    %add3A_0 = arith.addi %arg0, %add3A : i32
    %c0_i32 = arith.constant 0 : i32
    %c0_i32_1 = arith.constant 0 : i32
    return %add3A_0, %c0_i32 : i32, i32
  }
  func.func @transform_3(%arg0: i32) -> (i32, i32) {
    %c0_i32 = arith.constant 0 : i32
    %c0_i32_0 = arith.constant 0 : i32
    %c0_i32_1 = arith.constant 0 : i32
    return %c0_i32, %c0_i32_0 : i32, i32
  }
  func.func @transform_4(%arg0: i32) -> (i32, i32) {
    %c0_i32 = arith.constant 0 : i32
    %c0_i32_0 = arith.constant 0 : i32
    %c0_i32_1 = arith.constant 0 : i32
    return %c0_i32, %c0_i32_0 : i32, i32
  }
  func.func @transform_5(%arg0: i32) -> (i32, i32) {
    %c0_i32 = arith.constant 0 : i32
    %c0_i32_0 = arith.constant 0 : i32
    %c0_i32_1 = arith.constant 0 : i32
    return %c0_i32, %c0_i32_0 : i32, i32
  }
  func.func @transform_6(%arg0: i32) -> (i32, i32) {
    %c0_i32 = arith.constant 0 : i32
    %c0_i32_0 = arith.constant 0 : i32
    %c0_i32_1 = arith.constant 0 : i32
    return %c0_i32, %c0_i32_0 : i32, i32
  }
  func.func @transform_7(%arg0: i32) -> (i32, i32) {
    %c0_i32 = arith.constant 0 : i32
    %c0_i32_0 = arith.constant 0 : i32
    %c0_i32_1 = arith.constant 0 : i32
    return %c0_i32, %c0_i32_0 : i32, i32
  }
  func.func @transform_8(%arg0: i32) -> (i32, i32) {
    %c0_i32 = arith.constant 0 : i32
    %c0_i32_0 = arith.constant 0 : i32
    %c0_i32_1 = arith.constant 0 : i32
    return %c0_i32, %c0_i32_0 : i32, i32
  }
  func.func @transform_9(%arg0: i32) -> (i32, i32) {
    %c0_i32 = arith.constant 0 : i32
    %c0_i32_0 = arith.constant 0 : i32
    %c0_i32_1 = arith.constant 0 : i32
    return %c0_i32, %c0_i32_0 : i32, i32
  }
  func.func @transform_10(%arg0: i32) -> (i32, i32) {
    %c0_i32 = arith.constant 0 : i32
    %c0_i32_0 = arith.constant 0 : i32
    return %arg0, %c0_i32 : i32, i32
  }
  func.func @transform_11(%arg0: i32) -> (i32, i32) {
    %c0_i32 = arith.constant 0 : i32
    %c0_i32_0 = arith.constant 0 : i32
    return %arg0, %c0_i32 : i32, i32
  }
}

</mosaic_0001>

<sc_bundles>
// kernel: kernel.11.cloned.1.call-start
scs
__scs_entry_jumppad:
0x0: {  	(pc) =	sbr.rel $0x88, $3  }
0x1: {  	(tag) =	ssettag $0x0;
	lr =	simm.s32 $0x1  }
0x2: {  	[smem:$0x3F95] =	sst lr;
	_ =	strace $0xD0000000  }
0x3: {  	_ = 	snop  }
0x4: {  	_ = 	snop  }
0x5: {  	_ = 	snop  }
0x6: {  	_ = 	snop  }
0x7: {  	_ = 	snop  }
__scs_overlays_trampoline_lowered:
0x8: {  	[smem:$0x3FA4] =	sst s0  }
0x9: {  	[smem:$0x3FA5] =	sst s1  }
0xa: {  	[smem:$0x3FA6] =	sst s2  }
0xb: {  	[smem:$0x3FA7] =	sst s3  }
0xc: {  	[smem:$0x3FA8] =	sst s4  }
0xd: {  	[smem:$0x3FA9] =	sst s5  }
0xe: {  	[smem:$0x3FAA] =	sst s6  }
0xf: {  	[smem:$0x3FAB] =	sst s7  }
0x10: {  	[smem:$0x3FAC] =	sst s8  }
0x11: {  	[smem:$0x3FAD] =	sst s9;
	s0 =	simm.s32 @!p0 $0x0  }
0x12: {  	s1 =	sld [smem:$0x3F93];
	s0 =	simm.s32 @p0 $0x1  }
0x13: {  	[smem:$0x3FAE] =	sst s0;
	s0 =	simm.s32 @!p1 $0x0  }
0x14: {  	s2 =	sld [smem:$0x3F92];
	s0 =	simm.s32 @p1 $0x1  }
0x15: {  	[smem:$0x3FAF] =	sst s0;
	s0 =	simm.s32 @!p2 $0x0  }
0x16: {  	s3 =	sld [smem:$0x3FDB];
	s0 =	simm.s32 @p2 $0x1  }
0x17: {  	s4 =	simm.s32 $0x1BF5;
	[smem:$0x3FB1] =	sst s0  }
0x18: {  	s0 =	sld [smem:$0x3F94];
	_ =	swait.ge [sflag:s4], $0x0  }
0x19: {  	s7 =	sld [smem:$0x3F95]  }
0x1a: {  	s8 =	sadd.s32 $0xFFFFE003, lr  }
0x1b: {  	s9 =	sadd.s32 $0xFFFFFEF7, lr;
	s5 =	simm.s32 $0xFFFFFFFF;
	p2 =	slt.u32 s8, $0xFFFFF086  }
0x1c: {  	p1 =	slt.u32 s9, $0xF7A;
	s5 =	simm.s32 @!p2 $0x0  }
0x1d: {  	s5 =	simm.s32 @p1 $0x1;
	p0 =	seq.s32 s7, s2  }
0x1e: {  	s7 =	smul.u32 @!p0 $0xF7A, s2;
	p2 =	seq.s32 @!p0 s5, $0x0  }
0x1f: {  	s9 =	smul.u32 $0xF7A, s1;
	s8 =	simm.s32 @!p0 $0x1BF5;
	p2 =	por !p2, p0  }
0x20: {  	[sflag:s8] =	ssyncset.s32 @!p0 $0xFFFFF086;
	s6 =	sadd.s32 @!p0 s3, s7;
	s7 =	simm.s32 @!p0 $0x108  }
0x21: {  	s3 =	sadd.s32 s3, s9;
	s6 =	sadd.s32 @!p0 $0x88, s6;
	s7 =	simm.s32 @p2 $0x1082  }
0x22: {  	[simem:s7], [sflag:s8] =	dma.local @!p0 [hbm:s6], $0xF7A  }
0x23: {  	s9 =	sor.u32 $0xD0000000, s2;
	s6 =	simm.s32 $0x108;
	_ =	swait.ge @!p0 [sflag:s8], $0x0  }
0x24: {  	s3 =	sadd.s32 $0x88, s3;
	s6 =	simm.s32 @!p1 $0x1082;
	[sflag:s4] =	ssyncset.s32 $0xFFFFF086  }
0x25: {  	[simem:s6], [sflag:s4] =	dma.local [hbm:s3], $0xF7A  }
0x26: {  	[smem:$0x3F95] =	sst s1;
	(tag) =	ssettag s2;
	_ =	strace s9  }
0x27: {  	s1 =	sld [smem:$0x3FA5]  }
0x28: {  	s2 =	sld [smem:$0x3FA6]  }
0x29: {  	s4 =	sld [smem:$0x3FA8]  }
0x2a: {  	p0 =	seq.s32 s5, $0x0;
	s5 =	sld [smem:$0x3FA9]  }
0x2b: {  	s6 =	sld [smem:$0x3FAA]  }
0x2c: {  	s7 =	sld [smem:$0x3FAB]  }
0x2d: {  	s3 =	simm.s32 $0x108;
	s8 =	sld [smem:$0x3FAC]  }
0x2e: {  	s3 =	simm.s32 @!p0 $0x1082;
	s9 =	sld [smem:$0x3FAD]  }
0x2f: {  	lr =	sadd.s32 s0, s3;
	s0 =	sld [smem:$0x3FA4]  }
0x30: {  	s3 =	sld [smem:$0x3FA7]  }
0x31: {  	[smem:$0x3FB0] =	sst s10  }
0x32: {  	s10 =	sld [smem:$0x3FAE];
	_ =	sdelay $0x3  }
0x33: {  	p0 =	seq.s32 s10, $0x1;
	s10 =	sld [smem:$0x3FB0];
	_ =	sdelay $0x3  }
0x34: {  	[smem:$0x3FB0] =	sst s10  }
0x35: {  	s10 =	sld [smem:$0x3FAF];
	_ =	sdelay $0x3  }
0x36: {  	p1 =	seq.s32 s10, $0x1;
	s10 =	sld [smem:$0x3FB0];
	_ =	sdelay $0x3  }
0x37: {  	[smem:$0x3FB0] =	sst s10  }
0x38: {  	s10 =	sld [smem:$0x3FB1]  }
0x39: {  	_ = 	snop;
	(pc) =	sbr.ind lr, $3  }
0x3a: {  	_ = 	snop  }
0x3b: {  	_ = 	snop  }
0x3c: {  	p2 =	seq.s32 s10, $0x1;
	s10 =	sld [smem:$0x3FB0]  }
0x3d: {  	_ =	shalt  }
0x3e: {  	_ =	shalt  }
0x3f: {  	_ =	shalt  }
0x40: {  	_ =	shalt  }
0x41: {  	_ =	shalt  }
0x42: {  	_ =	shalt  }
0x43: {  	_ =	shalt  }
0x44: {  	_ =	shalt  }
0x45: {  	_ =	shalt  }
0x46: {  	_ =	shalt  }
0x47: {  	_ =	shalt  }
0x48: {  	_ =	shalt  }
0x49: {  	_ =	shalt  }
0x4a: {  	_ =	shalt  }
0x4b: {  	_ =	shalt  }
0x4c: {  	_ =	shalt  }
0x4d: {  	_ =	shalt  }
0x4e: {  	_ =	shalt  }
0x4f: {  	_ =	shalt  }
0x50: {  	_ =	shalt  }
0x51: {  	_ =	shalt  }
0x52: {  	_ =	shalt  }
0x53: {  	_ =	shalt  }
0x54: {  	_ =	shalt  }
0x55: {  	_ =	shalt  }
0x56: {  	_ =	shalt  }
0x57: {  	_ =	shalt  }
0x58: {  	_ =	shalt  }
0x59: {  	_ =	shalt  }
0x5a: {  	_ =	shalt  }
0x5b: {  	_ =	shalt  }
0x5c: {  	_ =	shalt  }
0x5d: {  	_ =	shalt  }
0x5e: {  	_ =	shalt  }
0x5f: {  	_ =	shalt  }
0x60: {  	_ =	shalt  }
0x61: {  	_ =	shalt  }
0x62: {  	_ =	shalt  }
0x63: {  	_ =	shalt  }
0x64: {  	_ =	shalt  }
0x65: {  	_ =	shalt  }
0x66: {  	_ =	shalt  }
0x67: {  	_ =	shalt  }
0x68: {  	_ =	shalt  }
0x69: {  	_ =	shalt  }
0x6a: {  	_ =	shalt  }
0x6b: {  	_ =	shalt  }
0x6c: {  	_ =	shalt  }
0x6d: {  	_ =	shalt  }
0x6e: {  	_ =	shalt  }
0x6f: {  	_ =	shalt  }
0x70: {  	_ =	shalt  }
0x71: {  	_ =	shalt  }
0x72: {  	_ =	shalt  }
0x73: {  	_ =	shalt  }
0x74: {  	_ =	shalt  }
0x75: {  	_ =	shalt  }
0x76: {  	_ =	shalt  }
0x77: {  	_ =	shalt  }
0x78: {  	_ =	shalt  }
0x79: {  	_ =	shalt  }
0x7a: {  	_ =	shalt  }
0x7b: {  	_ =	shalt  }
0x7c: {  	_ =	shalt  }
0x7d: {  	_ =	shalt  }
0x7e: {  	_ =	shalt  }
0x7f: {  	_ =	shalt  }
0x80: {  	_ =	shalt  }
0x81: {  	_ =	shalt  }
0x82: {  	_ =	shalt  }
0x83: {  	_ =	shalt  }
0x84: {  	_ =	shalt  }
0x85: {  	_ =	shalt  }
0x86: {  	_ =	shalt  }
0x87: {  	_ =	shalt  }
.Lfunc_end0:
.L_simem_size_0:
called_computation.1_lowered:
.L_overlay_start_0:
0x88: {  	s2 =	sld [smem:$0x3FD9]  }
0x89: {  	s3 =	sld [smem:$0x3FFE];
	_ =	sdelay $0x1  }
0x8a: {  	s1 =	srdreg.scid  }
0x8b: {  	s0 =	sand.u32 $0x1, s1  }
0x8c: {  	s14 =	sshll.u32 s0, $0xA;
	s2 =	sadd.s32 s3, s2  }
0x8d: {  	s2 =	sadd.s32 s2, s14  }
0x8e: {  	[smem:$0x3FBC] =	sst s2  }
0x8f: {  	_ = 	snop  }
0x90: {  	s2 =	sld [smem:$0x3FD0];
	_ =	sdelay $0x2  }
0x91: {  	s15 =	simm.s32 $0xA;
	s4 =	simm.s32 $0x10  }
0x92: {  	[smem:s4], [sflag:s15] =	dma.local [hbm:s2], $0x1  }
0x93: {  	_ =	swait.eq [sflag:s15], $0x1  }
0x94: {  	[sflag:s15] =	ssyncset.done $0x0  }
0x95: {  	[sflag:s15] =	ssyncadd.s32 $0xFFFFFFFF  }
0x96: {  	s16 =	sld [smem:$0x10];
	(tm) =	ssettm $0x1  }
0x97: {  	s17 =	sld [smem:$0x3FFB];
	_ =	sdelay $0x3  }
0x98: {  	_ =	strace s17  }
0x99: {  	s3 =	sld [smem:$0x3FFC];
	_ =	sdelay $0x3  }
0x9a: {  	_ =	strace s3  }
0x9b: {  	s3 =	sld [smem:$0x3FFD];
	_ =	sdelay $0x3  }
0x9c: {  	_ =	strace s3  }
0x9d: {  	_ =	strace $0x8FFFFFFF  }
0x9e: {  	s18 =	sld [smem:$0x3FDB];
	_ =	sdelay $0x1  }
0x9f: {  	s19 =	simm.s32 $_scs_section_size  }
0xa0: {  	s5 =	simm.s32 $_size__tile_overlayer_lowered;
	s6 =	simm.s32 $_tile_overlayer_lowered  }
0xa1: {  	s22 =	simm.s32 $0x1BFF;
	s21 =	sshll.u32 s6, $0x1;
	s3 =	sadd.s32 s19, s18  }
0xa2: {  	s7 =	simm.s32 $0x0;
	s20 =	sshll.u32 s5, $0x1;
	s5 =	sadd.s32 s21, s3  }
0xa3: {  	[timem:s7], [sflag:s22] =	dma.local [hbm:s5], s20  }
0xa4: {  	_ =	swait.ge [sflag:s22], s20  }
0xa5: {  	s4 =	ssub.s32 $0x0, s20;
	[sflag:s22] =	ssyncset.done $0x0  }
0xa6: {  	[sflag:s22] =	ssyncadd.s32 s4;
	_ =	sdelay $0x1  }
0xa7: {  	s23 =	simm.s32 $0x1B8B  }
0xa8: {  	_ =	swait.ge [sflag:s23], $0x1  }
0xa9: {  	[sflag:s23] =	ssyncset.done $0x0  }
0xaa: {  	s25 =	simm.s32 $0x1B8E;
	s24 =	sld [smem:$0x3FFE];
	[sflag:s23] =	ssyncadd.s32 $0xFFFFFFFF  }
0xab: {  	s26 =	simm.s32 $execute0_lowered;
	[smem:$0x3FD2] =	sst s25  }
0xac: {  	s5 =	sshll.u32 s26, $0x1;
	_ =	strace $0x80000049;
	[dreg:$0x1] =	wrdreg $0xFFFFFFFF  }
0xad: {  	s28 =	simm.s32 $_size_execute0_lowered;
	s3 =	sadd.s32 s3, s5;
	[dreg:$0x0] =	wrdreg $0x0  }
0xae: {  	s5 =	sshll.u32 s28, $0x1;
	[dreg:$0x2] =	wrdreg s3  }
0xaf: {  	[dreg:$0x3] =	wrdreg s5  }
0xb0: {  	[dreg:$0x4] =	wrdreg $0xC0  }
0xb1: {  	_ =	task [dreg:s7], $0x5FFFF  }
0xb2: {  	[dreg:$0x1] =	wrdreg $0xFFFFFFFF  }
0xb3: {  	[dreg:$0x0] =	wrdreg $0x60  }
0xb4: {  	[dreg:$0x2] =	wrdreg s24  }
0xb5: {  	[dreg:$0x3] =	wrdreg s16  }
0xb6: {  	[dreg:$0x4] =	wrdreg $0xAA000  }
0xb7: {  	[dreg:$0x5] =	wrdreg $0x9  }
0xb8: {  	_ =	task.clear_ibuf [dreg:s7], $0x6FFFF;
	_ =	strace $0x90000049  }
0xb9: {  	s29 =	simm.s32 $0x9;
	_ =	strace $0x8000004B  }
0xba: {  	_ =	swait.ge [sflag:s29], $0x1  }
0xbb: {  	[sflag:s29] =	ssyncadd.s32 $0xFFFFFFFF  }
0xbc: {  	_ =	strace $0x9000004B  }
0xbd: {  	_ =	sfence  }
0xbe: {  	s30 =	sld [smem:$0x0];
	_ =	sdelay $0x2  }
0xbf: {  	s31 =	sshll.u32 s1, $0xD;
	s1 =	sshrl.u32 s1, $0x2  }
0xc0: {  	s3 =	sand.u32 $0x4000, s31;
	s1 =	sadd.s32 s1, s30  }
0xc1: {  	s0 =	sor.u32 s3, s0;
	s1 =	sshll.u32 s1, $0x11  }
0xc2: {  	s0 =	sor.u32 s1, s0  }
0xc3: {  	s0 =	sadd.s32 $0x8F2B, s0  }
0xc4: {  	[sflag:s0] =	ssyncadd.remote.s32 $0x1  }
0xc5: {  	_ =	sfence.sel $0xFFFF  }
0xc6: {  	[dreg:$0x0] =	wrdreg $0xFFFFFFFF;
	(pc) =	sbr.abs _section_cstart, $3  }
0xc7: {  	[dreg:$0x1] =	wrdreg $0xFFFFFFFF  }
0xc8: {  	_ =	task.clear_ibuf [dreg:s7], $0x2FFFF;
	_ =	strace $0x9FFFFFFF  }
0xc9: {  	(tm) =	ssettm $0x7FFFFFFF  }
tec
execute0_lowered:
.L_overlay_start_1:
0x0: {  	(tag) =	ssettag $0x1  }
0x1: {  	s6 =	rddreg [dreg:$0x0]  }
0x2: {  	s2 =	rddreg [dreg:$0x1];
	s1 =	srdreg.scid  }
0x3: {  	s0 =	stileid.u32;
	s3 =	rddreg [dreg:$0x2];
	s4 =	simm.s32 $0x0  }
0x4: {  	s15 =	simm.s32 $0x80;
	s16 =	simm.s32 $0x2800;
	s17 =	simm.s32 $0x2A00  }
0x5: {  	s18 =	simm.s32 $0x1;
	s19 =	simm.s32 $0x3;
	s20 =	simm.s32 $0x2880  }
0x6: {  	s21 =	simm.s32 $0x6A00;
	s22 =	simm.s32 $0x2980;
	s23 =	simm.s32 $0x5  }
0x7: {  	s24 =	simm.s32 $0x2;
	s25 =	simm.s32 $0x4;
	s8 =	smul.u32 $0x2780, s0  }
0x8: {  	s26 =	simm.s32 $0x6;
	s28 =	simm.s32 $0x0;
	s12 =	smul.u32 $0x4F000, s0  }
0x9: {  	s7 =	sand.u32 $0x1, s1;
	[smem:$0x7FF] =	sst s4;
	s30 =	smul.u32 $0x4F0, s0  }
0xa: {  	s13 =	sadd.s32 $0x52800, s6;
	s5 =	smul.u32 $0x27800, s7;
	s7 =	ssub.s32 $0x2, s7  }
0xb: {  	s31 =	sshll.u32 s0, $0x6;
	_ =	strace $0x8000004A;
	s11 =	sshrl.u32 s7, $0x1  }
0xc: {  	s29 =	sshrl.u32 s12, $0x2;
	s12 =	sor.u32 $0x1C07, s31;
	s9 =	sadd.s32 s8, s5  }
0xd: {  	s5 =	sadd.s32 $0x61800, s6;
	s11 =	ssub.s32 s7, s11;
	s8 =	sshrl.u32 s8, $0x3  }
0xe: {  	s14 =	sadd.s32 s29, s3;
	s10 =	sshrl.u32 s9, $0x3;
	s9 =	sadd.s32 s9, s6  }
0xf: {  	s7 =	sadd.s32 s13, s8;
	s10 =	sadd.s32 s10, s6;
	s8 =	sadd.s32 $0xB0800, s9  }
0x10: {  	s9 =	smax.u32 s11, $0x1;
	s11 =	simm.s32 $0x7;
	s6 =	sadd.s32 $0x57800, s10  }
0x11: {  	s10 =	sadd.s32 s30, s13;
	s13 =	sshrl.u32 s14, $0x3;
	s14 =	simm.s32 $0x2900  }
.LBB2_1:
0x12: {  	[tilespmem:s4], [sflag:$0x7] =	stream.linear.gather [hbm4b:s6+s4], $0x2800, $0x38;
	[tilespmem:$0x1E600] =	vst v63  }
0x13: {  	_ =	swait.ge [sflag:s11], $0x2800  }
0x14: {  	[sflag:s11] =	ssyncset.done $0x0  }
0x15: {  	[sflag:s11] =	ssyncadd.s32 $0xFFFFD800  }
0x16: {  	[spmem:s13], [sflag:s12] =	dma.local [hbm:s2], $0x2780  }
0x17: {  	_ =	swait.ge [sflag:s11], $0x2780  }
0x18: {  	[sflag:s11] =	ssyncset.done $0x0  }
0x19: {  	[sflag:s11] =	ssyncadd.s32 $0xFFFFD880  }
0x1a: {  	[bflag:$0x0] =	sbarrier.arrive $0xFFFF  }
0x1b: {  	v0 =	vld [tilespmem:$0x0]  }
0x1c: {  	v1 =	vld [tilespmem:$0x10]  }
0x1d: {  	v2 =	vld [tilespmem:$0x20]  }
0x1e: {  	v3 =	vld [tilespmem:$0x30]  }
0x1f: {  	v4 =	vld [tilespmem:$0x40]  }
0x20: {  	v59 =	vld [tilespmem:$0x50];
	[tilespmem:$0x2800] =	vst v0  }
0x21: {  	v60 =	vld [tilespmem:$0x60];
	[tilespmem:$0x2810] =	vst v1  }
0x22: {  	v61 =	vld [tilespmem:$0x70];
	[tilespmem:$0x2820] =	vst v2  }
0x23: {  	[tilespmem:$0x2830] =	vst v3  }
0x24: {  	[tilespmem:$0x2840] =	vst v4  }
0x25: {  	[tilespmem:$0x2850] =	vst v59  }
0x26: {  	[tilespmem:$0x2860] =	vst v60  }
0x27: {  	[tilespmem:$0x2870] =	vst v61  }
0x28: {  	[tilespmem:s14], [sflag:$0x3] =	stream.linear.gather [hbm4b:s7+s4], $0x80, $0x38;
	[tilespmem:$0x1E600] =	vst v63  }
0x29: {  	_ = 	snop  }
0x2a: {  	[tilespmem:s17], [sflag:$0x1] =	stream.indirect.gather [hbm4b:s5+s15], $0x80, s16, s15, $0xb8;
	[tilespmem:$0x1E600] =	vst v63  }
0x2b: {  	_ =	swait.ge [sflag:s18], $0x4000  }
0x2c: {  	[sflag:s18] =	ssyncset.done $0x0  }
0x2d: {  	[sflag:s18] =	ssyncadd.s32 $0xFFFFC000  }
0x2e: {  	_ =	swait.ge [sflag:s19], $0x80  }
0x2f: {  	[sflag:s19] =	ssyncset.done $0x0  }
0x30: {  	s29 =	simm.s32 $0xC0;
	[sflag:s19] =	ssyncadd.s32 $0xFFFFFF80  }
0x31: {  	[spmem:s3] =	stream.indirect.scatter.add.f32 [tilespmem:s17], [sflag:$0x5], $0x80, s14, s15, $0xb8;
	[tilespmem:$0x1E600] =	vst v63  }
0x32: {  	v62 =	vld [tilespmem:s29+$0xFFFFFFC0];
	_ =	sdelay $0x4  }
0x33: {  	[tilespmem:$0x2880] =	vst v62  }
0x34: {  	v0 =	vld [tilespmem:s29+$0xFFFFFFD0];
	_ =	sdelay $0x4  }
0x35: {  	[tilespmem:$0x2890] =	vst v0  }
0x36: {  	v0 =	vld [tilespmem:s29+$0xFFFFFFE0];
	_ =	sdelay $0x4  }
0x37: {  	[tilespmem:$0x28A0] =	vst v0  }
0x38: {  	v0 =	vld [tilespmem:s29+$0xFFFFFFF0];
	_ =	sdelay $0x4  }
0x39: {  	[tilespmem:$0x28B0] =	vst v0  }
0x3a: {  	v0 =	vld [tilespmem:s29+$0x0];
	_ =	sdelay $0x4  }
0x3b: {  	[tilespmem:$0x28C0] =	vst v0  }
0x3c: {  	v0 =	vld [tilespmem:s29+$0x10];
	_ =	sdelay $0x4  }
0x3d: {  	[tilespmem:$0x28D0] =	vst v0  }
0x3e: {  	v0 =	vld [tilespmem:s29+$0x20];
	_ =	sdelay $0x4  }
0x3f: {  	[tilespmem:$0x28E0] =	vst v0  }
0x40: {  	v0 =	vld [tilespmem:s29+$0x30];
	_ =	sdelay $0x4  }
0x41: {  	s30 =	sadd.s32 $0xFFFFFB20, s10;
	[tilespmem:$0x28F0] =	vst v0  }
0x42: {  	[tilespmem:s21], [sflag:$0x2] =	stream.indirect.gather [hbm4b:s5+s15], $0x80, s20, s15, $0xb8;
	[tilespmem:$0x1E600] =	vst v63  }
0x43: {  	s31 =	sadd.s32 $0x4F0, s30  }
0x44: {  	[tilespmem:s22], [sflag:$0x4] =	stream.linear.gather [hbm4b:s31+s4], $0x80, $0x38;
	[tilespmem:$0x1E600] =	vst v63  }
0x45: {  	_ =	swait.ge [sflag:s23], $0x4000  }
0x46: {  	[sflag:s23] =	ssyncset.done $0x0  }
0x47: {  	[sflag:s23] =	ssyncadd.s32 $0xFFFFC000  }
0x48: {  	_ =	swait.ge [sflag:s24], $0x4000  }
0x49: {  	[sflag:s24] =	ssyncset.done $0x0  }
0x4a: {  	[sflag:s24] =	ssyncadd.s32 $0xFFFFC000  }
0x4b: {  	_ =	swait.ge [sflag:s25], $0x80  }
0x4c: {  	[sflag:s25] =	ssyncset.done $0x0  }
0x4d: {  	[sflag:s25] =	ssyncadd.s32 $0xFFFFFF80  }
0x4e: {  	[spmem:s3] =	stream.indirect.scatter.add.f32 [tilespmem:s21], [sflag:$0x6], $0x80, s22, s15, $0xb8;
	[tilespmem:$0x1E600] =	vst v63  }
0x4f: {  	v63 =	vld [tilespmem:s29+$0x40];
	_ =	sdelay $0x4  }
0x50: {  	[tilespmem:$0x2800] =	vst v63  }
0x51: {  	v0 =	vld [tilespmem:s29+$0x50];
	_ =	sdelay $0x4  }
0x52: {  	[tilespmem:$0x2810] =	vst v0  }
0x53: {  	v0 =	vld [tilespmem:s29+$0x60];
	_ =	sdelay $0x4  }
0x54: {  	[tilespmem:$0x2820] =	vst v0  }
0x55: {  	v0 =	vld [tilespmem:s29+$0x70];
	_ =	sdelay $0x4  }
0x56: {  	[tilespmem:$0x2830] =	vst v0  }
0x57: {  	v0 =	vld [tilespmem:s29+$0x80];
	_ =	sdelay $0x4  }
0x58: {  	[tilespmem:$0x2840] =	vst v0  }
0x59: {  	v0 =	vld [tilespmem:s29+$0x90];
	_ =	sdelay $0x4  }
0x5a: {  	[tilespmem:$0x2850] =	vst v0  }
0x5b: {  	v0 =	vld [tilespmem:s29+$0xA0];
	_ =	sdelay $0x4  }
0x5c: {  	[tilespmem:$0x2860] =	vst v0  }
0x5d: {  	v0 =	vld [tilespmem:s29+$0xB0];
	_ =	sdelay $0x4  }
0x5e: {  	[tilespmem:$0x2870] =	vst v0  }
0x5f: {  	[tilespmem:s17], [sflag:$0x1] =	stream.indirect.gather [hbm4b:s5+s15], $0x80, s16, s15, $0xb8;
	[tilespmem:$0x1E600] =	vst v63  }
0x60: {  	s30 =	sadd.s32 $0x500, s30  }
0x61: {  	[tilespmem:s14], [sflag:$0x3] =	stream.linear.gather [hbm4b:s30+s4], $0x80, $0x38;
	[tilespmem:$0x1E600] =	vst v63  }
0x62: {  	_ =	swait.ge [sflag:s26], $0x4000  }
0x63: {  	s30 =	simm.s32 $0xFFFFFB40;
	[sflag:s26] =	ssyncset.done $0x0  }
.LBB2_2:
0x64: {  	p0 =	sne.s32 s30, $0xFFFFFFE0;
	[sflag:s26] =	ssyncadd.s32 $0xFFFFC000;
	s29 =	sadd.s32 $0x100, s29  }
0x65: {  	s31 =	smov.u32 s30;
	s30 =	sadd.s32 $0x20, s30  }
0x66: {  	_ =	swait.ge [sflag:s18], $0x4000  }
0x67: {  	[sflag:s18] =	ssyncset.done $0x0  }
0x68: {  	[sflag:s18] =	ssyncadd.s32 $0xFFFFC000  }
0x69: {  	_ =	swait.ge [sflag:s19], $0x80  }
0x6a: {  	[sflag:s19] =	ssyncset.done $0x0  }
0x6b: {  	[sflag:s19] =	ssyncadd.s32 $0xFFFFFF80  }
0x6c: {  	[spmem:s3] =	stream.indirect.scatter.add.f32 [tilespmem:s17], [sflag:$0x5], $0x80, s14, s15, $0xb8;
	[tilespmem:$0x1E600] =	vst v63  }
0x6d: {  	v0 =	vld [tilespmem:s29+$0xFFFFFFC0];
	_ =	sdelay $0x4  }
0x6e: {  	[tilespmem:$0x2880] =	vst v0  }
0x6f: {  	v0 =	vld [tilespmem:s29+$0xFFFFFFD0];
	_ =	sdelay $0x4  }
0x70: {  	[tilespmem:$0x2890] =	vst v0  }
0x71: {  	v0 =	vld [tilespmem:s29+$0xFFFFFFE0];
	_ =	sdelay $0x4  }
0x72: {  	[tilespmem:$0x28A0] =	vst v0  }
0x73: {  	v0 =	vld [tilespmem:s29+$0xFFFFFFF0];
	_ =	sdelay $0x4  }
0x74: {  	[tilespmem:$0x28B0] =	vst v0  }
0x75: {  	v0 =	vld [tilespmem:s29+$0x0];
	_ =	sdelay $0x4  }
0x76: {  	[tilespmem:$0x28C0] =	vst v0  }
0x77: {  	v0 =	vld [tilespmem:s29+$0x10];
	_ =	sdelay $0x4  }
0x78: {  	[tilespmem:$0x28D0] =	vst v0  }
0x79: {  	v0 =	vld [tilespmem:s29+$0x20];
	_ =	sdelay $0x4  }
0x7a: {  	[tilespmem:$0x28E0] =	vst v0  }
0x7b: {  	v0 =	vld [tilespmem:s29+$0x30];
	_ =	sdelay $0x4  }
0x7c: {  	s31 =	sadd.s32 s31, s10;
	[tilespmem:$0x28F0] =	vst v0  }
0x7d: {  	[tilespmem:s21], [sflag:$0x2] =	stream.indirect.gather [hbm4b:s5+s15], $0x80, s20, s15, $0xb8;
	[tilespmem:$0x1E600] =	vst v63  }
0x7e: {  	s1 =	sadd.s32 $0x4F0, s31  }
0x7f: {  	[tilespmem:s22], [sflag:$0x4] =	stream.linear.gather [hbm4b:s1+s4], $0x80, $0x38;
	[tilespmem:$0x1E600] =	vst v63  }
0x80: {  	_ =	swait.ge [sflag:s23], $0x4000  }
0x81: {  	[sflag:s23] =	ssyncset.done $0x0  }
0x82: {  	[sflag:s23] =	ssyncadd.s32 $0xFFFFC000  }
0x83: {  	_ =	swait.ge [sflag:s24], $0x4000  }
0x84: {  	[sflag:s24] =	ssyncset.done $0x0  }
0x85: {  	[sflag:s24] =	ssyncadd.s32 $0xFFFFC000  }
0x86: {  	_ =	swait.ge [sflag:s25], $0x80  }
0x87: {  	[sflag:s25] =	ssyncset.done $0x0  }
0x88: {  	[sflag:s25] =	ssyncadd.s32 $0xFFFFFF80  }
0x89: {  	[spmem:s3] =	stream.indirect.scatter.add.f32 [tilespmem:s21], [sflag:$0x6], $0x80, s22, s15, $0xb8;
	[tilespmem:$0x1E600] =	vst v63  }
0x8a: {  	v0 =	vld [tilespmem:s29+$0x40];
	_ =	sdelay $0x4  }
0x8b: {  	[tilespmem:$0x2800] =	vst v0  }
0x8c: {  	v0 =	vld [tilespmem:s29+$0x50];
	_ =	sdelay $0x4  }
0x8d: {  	[tilespmem:$0x2810] =	vst v0  }
0x8e: {  	v0 =	vld [tilespmem:s29+$0x60];
	_ =	sdelay $0x4  }
0x8f: {  	[tilespmem:$0x2820] =	vst v0  }
0x90: {  	v0 =	vld [tilespmem:s29+$0x70];
	_ =	sdelay $0x4  }
0x91: {  	[tilespmem:$0x2830] =	vst v0  }
0x92: {  	v0 =	vld [tilespmem:s29+$0x80];
	_ =	sdelay $0x4  }
0x93: {  	[tilespmem:$0x2840] =	vst v0  }
0x94: {  	v0 =	vld [tilespmem:s29+$0x90];
	_ =	sdelay $0x4  }
0x95: {  	[tilespmem:$0x2850] =	vst v0  }
0x96: {  	v0 =	vld [tilespmem:s29+$0xA0];
	_ =	sdelay $0x4  }
0x97: {  	[tilespmem:$0x2860] =	vst v0  }
0x98: {  	v0 =	vld [tilespmem:s29+$0xB0];
	_ =	sdelay $0x4  }
0x99: {  	[tilespmem:$0x2870] =	vst v0  }
0x9a: {  	[tilespmem:s17], [sflag:$0x1] =	stream.indirect.gather [hbm4b:s5+s15], $0x80, s16, s15, $0xb8;
	[tilespmem:$0x1E600] =	vst v63  }
.Ltmp0:
0x9b: {  	_ = 	snop;
	(pc) =	sbr.rel @p0 .LBB2_2-.Ltmp0, $4  }
0x9c: {  	s1 =	sadd.s32 $0x500, s31  }
0x9d: {  	[tilespmem:s14], [sflag:$0x3] =	stream.linear.gather [hbm4b:s1+s4], $0x80, $0x38;
	[tilespmem:$0x1E600] =	vst v63  }
0x9e: {  	_ =	swait.ge [sflag:s26], $0x4000  }
0x9f: {  	[sflag:s26] =	ssyncset.done $0x0  }
0xa0: {  	[sflag:s26] =	ssyncadd.s32 $0xFFFFC000  }
0xa1: {  	_ =	swait.ge [sflag:s18], $0x4000  }
0xa2: {  	[sflag:s18] =	ssyncset.done $0x0  }
0xa3: {  	[sflag:s18] =	ssyncadd.s32 $0xFFFFC000  }
0xa4: {  	_ =	swait.ge [sflag:s19], $0x80  }
0xa5: {  	[sflag:s19] =	ssyncset.done $0x0  }
0xa6: {  	[sflag:s19] =	ssyncadd.s32 $0xFFFFFF80  }
0xa7: {  	[spmem:s3] =	stream.indirect.scatter.add.f32 [tilespmem:s17], [sflag:$0x5], $0x80, s14, s15, $0xb8;
	[tilespmem:$0x1E600] =	vst v63  }
0xa8: {  	_ =	swait.ge [sflag:s23], $0x4000  }
0xa9: {  	s28 =	sadd.s32 $0x1, s28;
	[sflag:s23] =	ssyncset.done $0x0  }
0xaa: {  	p0 =	sne.s32 s28, s9;
	[sflag:s23] =	ssyncadd.s32 $0xFFFFC000  }
.Ltmp1:
0xab: {  	[bflag:$0x0] =	sbarrier.arrive $0xFFFF;
	(pc) =	sbr.rel @p0 .LBB2_1-.Ltmp1, $4  }
0xac: {  	[hbm:s8], [sflag:s12] =	dma.local [spmem:s13], $0x2780  }
0xad: {  	_ =	swait.ge [sflag:s11], $0x2780  }
0xae: {  	[sflag:s11] =	ssyncset.done $0x0  }
0xaf: {  	[sflag:s11] =	ssyncadd.s32 $0xFFFFD880  }
0xb0: {  	_ =	sfence.sel $0x180000  }
0xb1: {  	[bflag:$0x0] =	sbarrier.arrive $0xFFFF  }
0xb2: {  	_ =	strace $0x9000004A  }
0xb3: {  	[bflag:$0x2] =	sbarrier.arrive $0xFFFF  }
0xb4: {  	p0 =	sne.s32 s0, $0x0;
	s0 =	rddreg [dreg:$0x3]  }
0xb5: {  	s0 =	sadd.s32 @!p0 $0x100000, s0  }
0xb6: {  	[sflag:s0] =	ssyncadd.tile.s32 @!p0 $0x1;
	_ =	shalt  }
.Lfunc_end2:
_tile_overlayer_lowered:
.L_overlay_start_2:
0xb7: {  	(tag) =	ssettag $0x2  }
0xb8: {  	s0 =	rddreg [dreg:$0x0];
	s2 =	stileid.u32  }
0xb9: {  	s1 =	rddreg [dreg:$0x1];
	p0 =	sne.s32 s2, $0x0  }
0xba: {  	s3 =	rddreg [dreg:$0x2];
	[bflag:$0x3] =	sbarrier.arrive $0xFFFF;
	s2 =	simm.s32 @!p0 $0x1C07  }
0xbb: {  	[timem:s3], [sflag:s2] =	dma.local @!p0 [hbm:s0], s1  }
0xbc: {  	s0 =	simm.s32 @!p0 $0x7  }
0xbd: {  	_ =	swait.ge @!p0 [sflag:s0], s1  }
0xbe: {  	s1 =	ssub.s32 @!p0 $0x0, s1;
	[sflag:s0] =	ssyncset.done @!p0 $0x0  }
0xbf: {  	[sflag:s0] =	ssyncadd.s32 @!p0 s1  }
0xc0: {  	[bflag:$0x3] =	sbarrier.arrive $0xFFFF  }
0xc1: {  	_ =	shalt  }

// kernel: kernel.14.cloned.1.call-start
scs
__scs_entry_jumppad:
0x0: {  	(pc) =	sbr.rel $0x88, $3  }
0x1: {  	(tag) =	ssettag $0x0;
	lr =	simm.s32 $0x1  }
0x2: {  	[smem:$0x3F95] =	sst lr;
	_ =	strace $0xD0000000  }
0x3: {  	_ = 	snop  }
0x4: {  	_ = 	snop  }
0x5: {  	_ = 	snop  }
0x6: {  	_ = 	snop  }
0x7: {  	_ = 	snop  }
__scs_overlays_trampoline_lowered:
0x8: {  	[smem:$0x3FA4] =	sst s0  }
0x9: {  	[smem:$0x3FA5] =	sst s1  }
0xa: {  	[smem:$0x3FA6] =	sst s2  }
0xb: {  	[smem:$0x3FA7] =	sst s3  }
0xc: {  	[smem:$0x3FA8] =	sst s4  }
0xd: {  	[smem:$0x3FA9] =	sst s5  }
0xe: {  	[smem:$0x3FAA] =	sst s6  }
0xf: {  	[smem:$0x3FAB] =	sst s7  }
0x10: {  	[smem:$0x3FAC] =	sst s8  }
0x11: {  	[smem:$0x3FAD] =	sst s9;
	s0 =	simm.s32 @!p0 $0x0  }
0x12: {  	s1 =	sld [smem:$0x3F93];
	s0 =	simm.s32 @p0 $0x1  }
0x13: {  	[smem:$0x3FAE] =	sst s0;
	s0 =	simm.s32 @!p1 $0x0  }
0x14: {  	s2 =	sld [smem:$0x3F92];
	s0 =	simm.s32 @p1 $0x1  }
0x15: {  	[smem:$0x3FAF] =	sst s0;
	s0 =	simm.s32 @!p2 $0x0  }
0x16: {  	s3 =	sld [smem:$0x3FDB];
	s0 =	simm.s32 @p2 $0x1  }
0x17: {  	s4 =	simm.s32 $0x1BF5;
	[smem:$0x3FB1] =	sst s0  }
0x18: {  	s0 =	sld [smem:$0x3F94];
	_ =	swait.ge [sflag:s4], $0x0  }
0x19: {  	s7 =	sld [smem:$0x3F95]  }
0x1a: {  	s8 =	sadd.s32 $0xFFFFE003, lr  }
0x1b: {  	s9 =	sadd.s32 $0xFFFFFEF7, lr;
	s5 =	simm.s32 $0xFFFFFFFF;
	p2 =	slt.u32 s8, $0xFFFFF086  }
0x1c: {  	p1 =	slt.u32 s9, $0xF7A;
	s5 =	simm.s32 @!p2 $0x0  }
0x1d: {  	s5 =	simm.s32 @p1 $0x1;
	p0 =	seq.s32 s7, s2  }
0x1e: {  	s7 =	smul.u32 @!p0 $0xF7A, s2;
	p2 =	seq.s32 @!p0 s5, $0x0  }
0x1f: {  	s9 =	smul.u32 $0xF7A, s1;
	s8 =	simm.s32 @!p0 $0x1BF5;
	p2 =	por !p2, p0  }
0x20: {  	[sflag:s8] =	ssyncset.s32 @!p0 $0xFFFFF086;
	s6 =	sadd.s32 @!p0 s3, s7;
	s7 =	simm.s32 @!p0 $0x108  }
0x21: {  	s3 =	sadd.s32 s3, s9;
	s6 =	sadd.s32 @!p0 $0x88, s6;
	s7 =	simm.s32 @p2 $0x1082  }
0x22: {  	[simem:s7], [sflag:s8] =	dma.local @!p0 [hbm:s6], $0xF7A  }
0x23: {  	s9 =	sor.u32 $0xD0000000, s2;
	s6 =	simm.s32 $0x108;
	_ =	swait.ge @!p0 [sflag:s8], $0x0  }
0x24: {  	s3 =	sadd.s32 $0x88, s3;
	s6 =	simm.s32 @!p1 $0x1082;
	[sflag:s4] =	ssyncset.s32 $0xFFFFF086  }
0x25: {  	[simem:s6], [sflag:s4] =	dma.local [hbm:s3], $0xF7A  }
0x26: {  	[smem:$0x3F95] =	sst s1;
	(tag) =	ssettag s2;
	_ =	strace s9  }
0x27: {  	s1 =	sld [smem:$0x3FA5]  }
0x28: {  	s2 =	sld [smem:$0x3FA6]  }
0x29: {  	s4 =	sld [smem:$0x3FA8]  }
0x2a: {  	p0 =	seq.s32 s5, $0x0;
	s5 =	sld [smem:$0x3FA9]  }
0x2b: {  	s6 =	sld [smem:$0x3FAA]  }
0x2c: {  	s7 =	sld [smem:$0x3FAB]  }
0x2d: {  	s3 =	simm.s32 $0x108;
	s8 =	sld [smem:$0x3FAC]  }
0x2e: {  	s3 =	simm.s32 @!p0 $0x1082;
	s9 =	sld [smem:$0x3FAD]  }
0x2f: {  	lr =	sadd.s32 s0, s3;
	s0 =	sld [smem:$0x3FA4]  }
0x30: {  	s3 =	sld [smem:$0x3FA7]  }
0x31: {  	[smem:$0x3FB0] =	sst s10  }
0x32: {  	s10 =	sld [smem:$0x3FAE];
	_ =	sdelay $0x3  }
0x33: {  	p0 =	seq.s32 s10, $0x1;
	s10 =	sld [smem:$0x3FB0];
	_ =	sdelay $0x3  }
0x34: {  	[smem:$0x3FB0] =	sst s10  }
0x35: {  	s10 =	sld [smem:$0x3FAF];
	_ =	sdelay $0x3  }
0x36: {  	p1 =	seq.s32 s10, $0x1;
	s10 =	sld [smem:$0x3FB0];
	_ =	sdelay $0x3  }
0x37: {  	[smem:$0x3FB0] =	sst s10  }
0x38: {  	s10 =	sld [smem:$0x3FB1]  }
0x39: {  	_ = 	snop;
	(pc) =	sbr.ind lr, $3  }
0x3a: {  	_ = 	snop  }
0x3b: {  	_ = 	snop  }
0x3c: {  	p2 =	seq.s32 s10, $0x1;
	s10 =	sld [smem:$0x3FB0]  }
0x3d: {  	_ =	shalt  }
0x3e: {  	_ =	shalt  }
0x3f: {  	_ =	shalt  }
0x40: {  	_ =	shalt  }
0x41: {  	_ =	shalt  }
0x42: {  	_ =	shalt  }
0x43: {  	_ =	shalt  }
0x44: {  	_ =	shalt  }
0x45: {  	_ =	shalt  }
0x46: {  	_ =	shalt  }
0x47: {  	_ =	shalt  }
0x48: {  	_ =	shalt  }
0x49: {  	_ =	shalt  }
0x4a: {  	_ =	shalt  }
0x4b: {  	_ =	shalt  }
0x4c: {  	_ =	shalt  }
0x4d: {  	_ =	shalt  }
0x4e: {  	_ =	shalt  }
0x4f: {  	_ =	shalt  }
0x50: {  	_ =	shalt  }
0x51: {  	_ =	shalt  }
0x52: {  	_ =	shalt  }
0x53: {  	_ =	shalt  }
0x54: {  	_ =	shalt  }
0x55: {  	_ =	shalt  }
0x56: {  	_ =	shalt  }
0x57: {  	_ =	shalt  }
0x58: {  	_ =	shalt  }
0x59: {  	_ =	shalt  }
0x5a: {  	_ =	shalt  }
0x5b: {  	_ =	shalt  }
0x5c: {  	_ =	shalt  }
0x5d: {  	_ =	shalt  }
0x5e: {  	_ =	shalt  }
0x5f: {  	_ =	shalt  }
0x60: {  	_ =	shalt  }
0x61: {  	_ =	shalt  }
0x62: {  	_ =	shalt  }
0x63: {  	_ =	shalt  }
0x64: {  	_ =	shalt  }
0x65: {  	_ =	shalt  }
0x66: {  	_ =	shalt  }
0x67: {  	_ =	shalt  }
0x68: {  	_ =	shalt  }
0x69: {  	_ =	shalt  }
0x6a: {  	_ =	shalt  }
0x6b: {  	_ =	shalt  }
0x6c: {  	_ =	shalt  }
0x6d: {  	_ =	shalt  }
0x6e: {  	_ =	shalt  }
0x6f: {  	_ =	shalt  }
0x70: {  	_ =	shalt  }
0x71: {  	_ =	shalt  }
0x72: {  	_ =	shalt  }
0x73: {  	_ =	shalt  }
0x74: {  	_ =	shalt  }
0x75: {  	_ =	shalt  }
0x76: {  	_ =	shalt  }
0x77: {  	_ =	shalt  }
0x78: {  	_ =	shalt  }
0x79: {  	_ =	shalt  }
0x7a: {  	_ =	shalt  }
0x7b: {  	_ =	shalt  }
0x7c: {  	_ =	shalt  }
0x7d: {  	_ =	shalt  }
0x7e: {  	_ =	shalt  }
0x7f: {  	_ =	shalt  }
0x80: {  	_ =	shalt  }
0x81: {  	_ =	shalt  }
0x82: {  	_ =	shalt  }
0x83: {  	_ =	shalt  }
0x84: {  	_ =	shalt  }
0x85: {  	_ =	shalt  }
0x86: {  	_ =	shalt  }
0x87: {  	_ =	shalt  }
.Lfunc_end0:
.L_simem_size_0:
called_computation.2_lowered:
.L_overlay_start_0:
0x88: {  	s2 =	sld [smem:$0x3FD9]  }
0x89: {  	s3 =	sld [smem:$0x3FFE];
	_ =	sdelay $0x1  }
0x8a: {  	s1 =	srdreg.scid  }
0x8b: {  	s0 =	sand.u32 $0x1, s1  }
0x8c: {  	s14 =	sshll.u32 s0, $0xA;
	s2 =	sadd.s32 s3, s2  }
0x8d: {  	s2 =	sadd.s32 s2, s14  }
0x8e: {  	[smem:$0x3FBC] =	sst s2  }
0x8f: {  	_ = 	snop  }
0x90: {  	s2 =	sld [smem:$0x3FD0];
	_ =	sdelay $0x2  }
0x91: {  	s15 =	simm.s32 $0xA;
	s4 =	simm.s32 $0x10  }
0x92: {  	[smem:s4], [sflag:s15] =	dma.local [hbm:s2], $0x1  }
0x93: {  	_ =	swait.eq [sflag:s15], $0x1  }
0x94: {  	[sflag:s15] =	ssyncset.done $0x0  }
0x95: {  	[sflag:s15] =	ssyncadd.s32 $0xFFFFFFFF  }
0x96: {  	s16 =	sld [smem:$0x10];
	(tm) =	ssettm $0x1  }
0x97: {  	s17 =	sld [smem:$0x3FFB];
	_ =	sdelay $0x3  }
0x98: {  	_ =	strace s17  }
0x99: {  	s3 =	sld [smem:$0x3FFC];
	_ =	sdelay $0x3  }
0x9a: {  	_ =	strace s3  }
0x9b: {  	s3 =	sld [smem:$0x3FFD];
	_ =	sdelay $0x3  }
0x9c: {  	_ =	strace s3  }
0x9d: {  	_ =	strace $0x8FFFFFFF  }
0x9e: {  	s18 =	sld [smem:$0x3FDB];
	_ =	sdelay $0x1  }
0x9f: {  	s19 =	simm.s32 $_scs_section_size  }
0xa0: {  	s5 =	simm.s32 $_size__tile_overlayer_lowered;
	s6 =	simm.s32 $_tile_overlayer_lowered  }
0xa1: {  	s22 =	simm.s32 $0x1BFF;
	s21 =	sshll.u32 s6, $0x1;
	s3 =	sadd.s32 s19, s18  }
0xa2: {  	s7 =	simm.s32 $0x0;
	s20 =	sshll.u32 s5, $0x1;
	s5 =	sadd.s32 s21, s3  }
0xa3: {  	[timem:s7], [sflag:s22] =	dma.local [hbm:s5], s20  }
0xa4: {  	_ =	swait.ge [sflag:s22], s20  }
0xa5: {  	s4 =	ssub.s32 $0x0, s20;
	[sflag:s22] =	ssyncset.done $0x0  }
0xa6: {  	[sflag:s22] =	ssyncadd.s32 s4;
	_ =	sdelay $0x1  }
0xa7: {  	s23 =	simm.s32 $0x1B8B  }
0xa8: {  	_ =	swait.ge [sflag:s23], $0x1  }
0xa9: {  	[sflag:s23] =	ssyncset.done $0x0  }
0xaa: {  	s25 =	simm.s32 $0x1B8E;
	s24 =	sld [smem:$0x3FFE];
	[sflag:s23] =	ssyncadd.s32 $0xFFFFFFFF  }
0xab: {  	s26 =	simm.s32 $execute0_lowered;
	[smem:$0x3FD2] =	sst s25  }
0xac: {  	s5 =	sshll.u32 s26, $0x1;
	_ =	strace $0x8000004C;
	[dreg:$0x1] =	wrdreg $0xFFFFFFFF  }
0xad: {  	s28 =	simm.s32 $_size_execute0_lowered;
	s3 =	sadd.s32 s3, s5;
	[dreg:$0x0] =	wrdreg $0x0  }
0xae: {  	s5 =	sshll.u32 s28, $0x1;
	[dreg:$0x2] =	wrdreg s3  }
0xaf: {  	[dreg:$0x3] =	wrdreg s5  }
0xb0: {  	[dreg:$0x4] =	wrdreg $0xC0  }
0xb1: {  	_ =	task [dreg:s7], $0x5FFFF  }
0xb2: {  	[dreg:$0x1] =	wrdreg $0xFFFFFFFF  }
0xb3: {  	[dreg:$0x0] =	wrdreg $0x60  }
0xb4: {  	[dreg:$0x2] =	wrdreg s24  }
0xb5: {  	[dreg:$0x3] =	wrdreg s16  }
0xb6: {  	[dreg:$0x4] =	wrdreg $0xAA000  }
0xb7: {  	[dreg:$0x5] =	wrdreg $0x9  }
0xb8: {  	_ =	task.clear_ibuf [dreg:s7], $0x6FFFF;
	_ =	strace $0x9000004C  }
0xb9: {  	s29 =	simm.s32 $0x9;
	_ =	strace $0x8000004E  }
0xba: {  	_ =	swait.ge [sflag:s29], $0x1  }
0xbb: {  	[sflag:s29] =	ssyncadd.s32 $0xFFFFFFFF  }
0xbc: {  	_ =	strace $0x9000004E  }
0xbd: {  	_ =	sfence  }
0xbe: {  	s30 =	sld [smem:$0x0];
	_ =	sdelay $0x2  }
0xbf: {  	s31 =	sshll.u32 s1, $0xD;
	s1 =	sshrl.u32 s1, $0x2  }
0xc0: {  	s3 =	sand.u32 $0x4000, s31;
	s1 =	sadd.s32 s1, s30  }
0xc1: {  	s0 =	sor.u32 s3, s0;
	s1 =	sshll.u32 s1, $0x11  }
0xc2: {  	s0 =	sor.u32 s1, s0  }
0xc3: {  	s0 =	sadd.s32 $0x8F2B, s0  }
0xc4: {  	[sflag:s0] =	ssyncadd.remote.s32 $0x1  }
0xc5: {  	_ =	sfence.sel $0xFFFF  }
0xc6: {  	[dreg:$0x0] =	wrdreg $0xFFFFFFFF;
	(pc) =	sbr.abs _section_cstart, $3  }
0xc7: {  	[dreg:$0x1] =	wrdreg $0xFFFFFFFF  }
0xc8: {  	_ =	task.clear_ibuf [dreg:s7], $0x2FFFF;
	_ =	strace $0x9FFFFFFF  }
0xc9: {  	(tm) =	ssettm $0x7FFFFFFF  }
tec
execute0_lowered:
.L_overlay_start_1:
0x0: {  	(tag) =	ssettag $0x1  }
0x1: {  	s6 =	rddreg [dreg:$0x0]  }
0x2: {  	s2 =	rddreg [dreg:$0x1];
	s1 =	srdreg.scid  }
0x3: {  	s0 =	stileid.u32;
	s3 =	rddreg [dreg:$0x2];
	s4 =	simm.s32 $0x0  }
0x4: {  	s15 =	simm.s32 $0x80;
	s16 =	simm.s32 $0x2800;
	s17 =	simm.s32 $0x2A00  }
0x5: {  	s18 =	simm.s32 $0x1;
	s19 =	simm.s32 $0x3;
	s20 =	simm.s32 $0x2880  }
0x6: {  	s21 =	simm.s32 $0x6A00;
	s22 =	simm.s32 $0x2980;
	s23 =	simm.s32 $0x5  }
0x7: {  	s24 =	simm.s32 $0x2;
	s25 =	simm.s32 $0x4;
	s8 =	smul.u32 $0x2780, s0  }
0x8: {  	s26 =	simm.s32 $0x6;
	s28 =	simm.s32 $0x0;
	s12 =	smul.u32 $0x4F000, s0  }
0x9: {  	s7 =	sand.u32 $0x1, s1;
	[smem:$0x7FF] =	sst s4;
	s30 =	smul.u32 $0x4F0, s0  }
0xa: {  	s13 =	sadd.s32 $0x52800, s6;
	s5 =	smul.u32 $0x27800, s7;
	s7 =	ssub.s32 $0x2, s7  }
0xb: {  	s31 =	sshll.u32 s0, $0x6;
	_ =	strace $0x8000004D;
	s11 =	sshrl.u32 s7, $0x1  }
0xc: {  	s29 =	sshrl.u32 s12, $0x2;
	s12 =	sor.u32 $0x1C07, s31;
	s9 =	sadd.s32 s8, s5  }
0xd: {  	s5 =	sadd.s32 $0x61800, s6;
	s11 =	ssub.s32 s7, s11;
	s8 =	sshrl.u32 s8, $0x3  }
0xe: {  	s14 =	sadd.s32 s29, s3;
	s10 =	sshrl.u32 s9, $0x3;
	s9 =	sadd.s32 s9, s6  }
0xf: {  	s7 =	sadd.s32 s13, s8;
	s10 =	sadd.s32 s10, s6;
	s8 =	sadd.s32 $0xB0800, s9  }
0x10: {  	s9 =	smax.u32 s11, $0x1;
	s11 =	simm.s32 $0x7;
	s6 =	sadd.s32 $0x57800, s10  }
0x11: {  	s10 =	sadd.s32 s30, s13;
	s13 =	sshrl.u32 s14, $0x3;
	s14 =	simm.s32 $0x2900  }
.LBB2_1:
0x12: {  	[tilespmem:s4], [sflag:$0x7] =	stream.linear.gather [hbm4b:s6+s4], $0x2800, $0x38;
	[tilespmem:$0x1E600] =	vst v63  }
0x13: {  	_ =	swait.ge [sflag:s11], $0x2800  }
0x14: {  	[sflag:s11] =	ssyncset.done $0x0  }
0x15: {  	[sflag:s11] =	ssyncadd.s32 $0xFFFFD800  }
0x16: {  	[spmem:s13], [sflag:s12] =	dma.local [hbm:s2], $0x2780  }
0x17: {  	_ =	swait.ge [sflag:s11], $0x2780  }
0x18: {  	[sflag:s11] =	ssyncset.done $0x0  }
0x19: {  	[sflag:s11] =	ssyncadd.s32 $0xFFFFD880  }
0x1a: {  	[bflag:$0x0] =	sbarrier.arrive $0xFFFF  }
0x1b: {  	v0 =	vld [tilespmem:$0x0]  }
0x1c: {  	v1 =	vld [tilespmem:$0x10]  }
0x1d: {  	v2 =	vld [tilespmem:$0x20]  }
0x1e: {  	v3 =	vld [tilespmem:$0x30]  }
0x1f: {  	v4 =	vld [tilespmem:$0x40]  }
0x20: {  	v59 =	vld [tilespmem:$0x50];
	[tilespmem:$0x2800] =	vst v0  }
0x21: {  	v60 =	vld [tilespmem:$0x60];
	[tilespmem:$0x2810] =	vst v1  }
0x22: {  	v61 =	vld [tilespmem:$0x70];
	[tilespmem:$0x2820] =	vst v2  }
0x23: {  	[tilespmem:$0x2830] =	vst v3  }
0x24: {  	[tilespmem:$0x2840] =	vst v4  }
0x25: {  	[tilespmem:$0x2850] =	vst v59  }
0x26: {  	[tilespmem:$0x2860] =	vst v60  }
0x27: {  	[tilespmem:$0x2870] =	vst v61  }
0x28: {  	[tilespmem:s14], [sflag:$0x3] =	stream.linear.gather [hbm4b:s7+s4], $0x80, $0x38;
	[tilespmem:$0x1E600] =	vst v63  }
0x29: {  	_ = 	snop  }
0x2a: {  	[tilespmem:s17], [sflag:$0x1] =	stream.indirect.gather [hbm4b:s5+s15], $0x80, s16, s15, $0xb8;
	[tilespmem:$0x1E600] =	vst v63  }
0x2b: {  	_ =	swait.ge [sflag:s18], $0x4000  }
0x2c: {  	[sflag:s18] =	ssyncset.done $0x0  }
0x2d: {  	[sflag:s18] =	ssyncadd.s32 $0xFFFFC000  }
0x2e: {  	_ =	swait.ge [sflag:s19], $0x80  }
0x2f: {  	[sflag:s19] =	ssyncset.done $0x0  }
0x30: {  	s29 =	simm.s32 $0xC0;
	[sflag:s19] =	ssyncadd.s32 $0xFFFFFF80  }
0x31: {  	[spmem:s3] =	stream.indirect.scatter.add.f32 [tilespmem:s17], [sflag:$0x5], $0x80, s14, s15, $0xb8;
	[tilespmem:$0x1E600] =	vst v63  }
0x32: {  	v62 =	vld [tilespmem:s29+$0xFFFFFFC0];
	_ =	sdelay $0x4  }
0x33: {  	[tilespmem:$0x2880] =	vst v62  }
0x34: {  	v0 =	vld [tilespmem:s29+$0xFFFFFFD0];
	_ =	sdelay $0x4  }
0x35: {  	[tilespmem:$0x2890] =	vst v0  }
0x36: {  	v0 =	vld [tilespmem:s29+$0xFFFFFFE0];
	_ =	sdelay $0x4  }
0x37: {  	[tilespmem:$0x28A0] =	vst v0  }
0x38: {  	v0 =	vld [tilespmem:s29+$0xFFFFFFF0];
	_ =	sdelay $0x4  }
0x39: {  	[tilespmem:$0x28B0] =	vst v0  }
0x3a: {  	v0 =	vld [tilespmem:s29+$0x0];
	_ =	sdelay $0x4  }
0x3b: {  	[tilespmem:$0x28C0] =	vst v0  }
0x3c: {  	v0 =	vld [tilespmem:s29+$0x10];
	_ =	sdelay $0x4  }
0x3d: {  	[tilespmem:$0x28D0] =	vst v0  }
0x3e: {  	v0 =	vld [tilespmem:s29+$0x20];
	_ =	sdelay $0x4  }
0x3f: {  	[tilespmem:$0x28E0] =	vst v0  }
0x40: {  	v0 =	vld [tilespmem:s29+$0x30];
	_ =	sdelay $0x4  }
0x41: {  	s30 =	sadd.s32 $0xFFFFFB20, s10;
	[tilespmem:$0x28F0] =	vst v0  }
0x42: {  	[tilespmem:s21], [sflag:$0x2] =	stream.indirect.gather [hbm4b:s5+s15], $0x80, s20, s15, $0xb8;
	[tilespmem:$0x1E600] =	vst v63  }
0x43: {  	s31 =	sadd.s32 $0x4F0, s30  }
0x44: {  	[tilespmem:s22], [sflag:$0x4] =	stream.linear.gather [hbm4b:s31+s4], $0x80, $0x38;
	[tilespmem:$0x1E600] =	vst v63  }
0x45: {  	_ =	swait.ge [sflag:s23], $0x4000  }
0x46: {  	[sflag:s23] =	ssyncset.done $0x0  }
0x47: {  	[sflag:s23] =	ssyncadd.s32 $0xFFFFC000  }
0x48: {  	_ =	swait.ge [sflag:s24], $0x4000  }
0x49: {  	[sflag:s24] =	ssyncset.done $0x0  }
0x4a: {  	[sflag:s24] =	ssyncadd.s32 $0xFFFFC000  }
0x4b: {  	_ =	swait.ge [sflag:s25], $0x80  }
0x4c: {  	[sflag:s25] =	ssyncset.done $0x0  }
0x4d: {  	[sflag:s25] =	ssyncadd.s32 $0xFFFFFF80  }
0x4e: {  	[spmem:s3] =	stream.indirect.scatter.add.f32 [tilespmem:s21], [sflag:$0x6], $0x80, s22, s15, $0xb8;
	[tilespmem:$0x1E600] =	vst v63  }
0x4f: {  	v63 =	vld [tilespmem:s29+$0x40];
	_ =	sdelay $0x4  }
0x50: {  	[tilespmem:$0x2800] =	vst v63  }
0x51: {  	v0 =	vld [tilespmem:s29+$0x50];
	_ =	sdelay $0x4  }
0x52: {  	[tilespmem:$0x2810] =	vst v0  }
0x53: {  	v0 =	vld [tilespmem:s29+$0x60];
	_ =	sdelay $0x4  }
0x54: {  	[tilespmem:$0x2820] =	vst v0  }
0x55: {  	v0 =	vld [tilespmem:s29+$0x70];
	_ =	sdelay $0x4  }
0x56: {  	[tilespmem:$0x2830] =	vst v0  }
0x57: {  	v0 =	vld [tilespmem:s29+$0x80];
	_ =	sdelay $0x4  }
0x58: {  	[tilespmem:$0x2840] =	vst v0  }
0x59: {  	v0 =	vld [tilespmem:s29+$0x90];
	_ =	sdelay $0x4  }
0x5a: {  	[tilespmem:$0x2850] =	vst v0  }
0x5b: {  	v0 =	vld [tilespmem:s29+$0xA0];
	_ =	sdelay $0x4  }
0x5c: {  	[tilespmem:$0x2860] =	vst v0  }
0x5d: {  	v0 =	vld [tilespmem:s29+$0xB0];
	_ =	sdelay $0x4  }
0x5e: {  	[tilespmem:$0x2870] =	vst v0  }
0x5f: {  	[tilespmem:s17], [sflag:$0x1] =	stream.indirect.gather [hbm4b:s5+s15], $0x80, s16, s15, $0xb8;
	[tilespmem:$0x1E600] =	vst v63  }
0x60: {  	s30 =	sadd.s32 $0x500, s30  }
0x61: {  	[tilespmem:s14], [sflag:$0x3] =	stream.linear.gather [hbm4b:s30+s4], $0x80, $0x38;
	[tilespmem:$0x1E600] =	vst v63  }
0x62: {  	_ =	swait.ge [sflag:s26], $0x4000  }
0x63: {  	s30 =	simm.s32 $0xFFFFFB40;
	[sflag:s26] =	ssyncset.done $0x0  }
.LBB2_2:
0x64: {  	p0 =	sne.s32 s30, $0xFFFFFFE0;
	[sflag:s26] =	ssyncadd.s32 $0xFFFFC000;
	s29 =	sadd.s32 $0x100, s29  }
0x65: {  	s31 =	smov.u32 s30;
	s30 =	sadd.s32 $0x20, s30  }
0x66: {  	_ =	swait.ge [sflag:s18], $0x4000  }
0x67: {  	[sflag:s18] =	ssyncset.done $0x0  }
0x68: {  	[sflag:s18] =	ssyncadd.s32 $0xFFFFC000  }
0x69: {  	_ =	swait.ge [sflag:s19], $0x80  }
0x6a: {  	[sflag:s19] =	ssyncset.done $0x0  }
0x6b: {  	[sflag:s19] =	ssyncadd.s32 $0xFFFFFF80  }
0x6c: {  	[spmem:s3] =	stream.indirect.scatter.add.f32 [tilespmem:s17], [sflag:$0x5], $0x80, s14, s15, $0xb8;
	[tilespmem:$0x1E600] =	vst v63  }
0x6d: {  	v0 =	vld [tilespmem:s29+$0xFFFFFFC0];
	_ =	sdelay $0x4  }
0x6e: {  	[tilespmem:$0x2880] =	vst v0  }
0x6f: {  	v0 =	vld [tilespmem:s29+$0xFFFFFFD0];
	_ =	sdelay $0x4  }
0x70: {  	[tilespmem:$0x2890] =	vst v0  }
0x71: {  	v0 =	vld [tilespmem:s29+$0xFFFFFFE0];
	_ =	sdelay $0x4  }
0x72: {  	[tilespmem:$0x28A0] =	vst v0  }
0x73: {  	v0 =	vld [tilespmem:s29+$0xFFFFFFF0];
	_ =	sdelay $0x4  }
0x74: {  	[tilespmem:$0x28B0] =	vst v0  }
0x75: {  	v0 =	vld [tilespmem:s29+$0x0];
	_ =	sdelay $0x4  }
0x76: {  	[tilespmem:$0x28C0] =	vst v0  }
0x77: {  	v0 =	vld [tilespmem:s29+$0x10];
	_ =	sdelay $0x4  }
0x78: {  	[tilespmem:$0x28D0] =	vst v0  }
0x79: {  	v0 =	vld [tilespmem:s29+$0x20];
	_ =	sdelay $0x4  }
0x7a: {  	[tilespmem:$0x28E0] =	vst v0  }
0x7b: {  	v0 =	vld [tilespmem:s29+$0x30];
	_ =	sdelay $0x4  }
0x7c: {  	s31 =	sadd.s32 s31, s10;
	[tilespmem:$0x28F0] =	vst v0  }
0x7d: {  	[tilespmem:s21], [sflag:$0x2] =	stream.indirect.gather [hbm4b:s5+s15], $0x80, s20, s15, $0xb8;
	[tilespmem:$0x1E600] =	vst v63  }
0x7e: {  	s1 =	sadd.s32 $0x4F0, s31  }
0x7f: {  	[tilespmem:s22], [sflag:$0x4] =	stream.linear.gather [hbm4b:s1+s4], $0x80, $0x38;
	[tilespmem:$0x1E600] =	vst v63  }
0x80: {  	_ =	swait.ge [sflag:s23], $0x4000  }
0x81: {  	[sflag:s23] =	ssyncset.done $0x0  }
0x82: {  	[sflag:s23] =	ssyncadd.s32 $0xFFFFC000  }
0x83: {  	_ =	swait.ge [sflag:s24], $0x4000  }
0x84: {  	[sflag:s24] =	ssyncset.done $0x0  }
0x85: {  	[sflag:s24] =	ssyncadd.s32 $0xFFFFC000  }
0x86: {  	_ =	swait.ge [sflag:s25], $0x80  }
0x87: {  	[sflag:s25] =	ssyncset.done $0x0  }
0x88: {  	[sflag:s25] =	ssyncadd.s32 $0xFFFFFF80  }
0x89: {  	[spmem:s3] =	stream.indirect.scatter.add.f32 [tilespmem:s21], [sflag:$0x6], $0x80, s22, s15, $0xb8;
	[tilespmem:$0x1E600] =	vst v63  }
0x8a: {  	v0 =	vld [tilespmem:s29+$0x40];
	_ =	sdelay $0x4  }
0x8b: {  	[tilespmem:$0x2800] =	vst v0  }
0x8c: {  	v0 =	vld [tilespmem:s29+$0x50];
	_ =	sdelay $0x4  }
0x8d: {  	[tilespmem:$0x2810] =	vst v0  }
0x8e: {  	v0 =	vld [tilespmem:s29+$0x60];
	_ =	sdelay $0x4  }
0x8f: {  	[tilespmem:$0x2820] =	vst v0  }
0x90: {  	v0 =	vld [tilespmem:s29+$0x70];
	_ =	sdelay $0x4  }
0x91: {  	[tilespmem:$0x2830] =	vst v0  }
0x92: {  	v0 =	vld [tilespmem:s29+$0x80];
	_ =	sdelay $0x4  }
0x93: {  	[tilespmem:$0x2840] =	vst v0  }
0x94: {  	v0 =	vld [tilespmem:s29+$0x90];
	_ =	sdelay $0x4  }
0x95: {  	[tilespmem:$0x2850] =	vst v0  }
0x96: {  	v0 =	vld [tilespmem:s29+$0xA0];
	_ =	sdelay $0x4  }
0x97: {  	[tilespmem:$0x2860] =	vst v0  }
0x98: {  	v0 =	vld [tilespmem:s29+$0xB0];
	_ =	sdelay $0x4  }
0x99: {  	[tilespmem:$0x2870] =	vst v0  }
0x9a: {  	[tilespmem:s17], [sflag:$0x1] =	stream.indirect.gather [hbm4b:s5+s15], $0x80, s16, s15, $0xb8;
	[tilespmem:$0x1E600] =	vst v63  }
.Ltmp0:
0x9b: {  	_ = 	snop;
	(pc) =	sbr.rel @p0 .LBB2_2-.Ltmp0, $4  }
0x9c: {  	s1 =	sadd.s32 $0x500, s31  }
0x9d: {  	[tilespmem:s14], [sflag:$0x3] =	stream.linear.gather [hbm4b:s1+s4], $0x80, $0x38;
	[tilespmem:$0x1E600] =	vst v63  }
0x9e: {  	_ =	swait.ge [sflag:s26], $0x4000  }
0x9f: {  	[sflag:s26] =	ssyncset.done $0x0  }
0xa0: {  	[sflag:s26] =	ssyncadd.s32 $0xFFFFC000  }
0xa1: {  	_ =	swait.ge [sflag:s18], $0x4000  }
0xa2: {  	[sflag:s18] =	ssyncset.done $0x0  }
0xa3: {  	[sflag:s18] =	ssyncadd.s32 $0xFFFFC000  }
0xa4: {  	_ =	swait.ge [sflag:s19], $0x80  }
0xa5: {  	[sflag:s19] =	ssyncset.done $0x0  }
0xa6: {  	[sflag:s19] =	ssyncadd.s32 $0xFFFFFF80  }
0xa7: {  	[spmem:s3] =	stream.indirect.scatter.add.f32 [tilespmem:s17], [sflag:$0x5], $0x80, s14, s15, $0xb8;
	[tilespmem:$0x1E600] =	vst v63  }
0xa8: {  	_ =	swait.ge [sflag:s23], $0x4000  }
0xa9: {  	s28 =	sadd.s32 $0x1, s28;
	[sflag:s23] =	ssyncset.done $0x0  }
0xaa: {  	p0 =	sne.s32 s28, s9;
	[sflag:s23] =	ssyncadd.s32 $0xFFFFC000  }
.Ltmp1:
0xab: {  	[bflag:$0x0] =	sbarrier.arrive $0xFFFF;
	(pc) =	sbr.rel @p0 .LBB2_1-.Ltmp1, $4  }
0xac: {  	[hbm:s8], [sflag:s12] =	dma.local [spmem:s13], $0x2780  }
0xad: {  	_ =	swait.ge [sflag:s11], $0x2780  }
0xae: {  	[sflag:s11] =	ssyncset.done $0x0  }
0xaf: {  	[sflag:s11] =	ssyncadd.s32 $0xFFFFD880  }
0xb0: {  	_ =	sfence.sel $0x180000  }
0xb1: {  	[bflag:$0x0] =	sbarrier.arrive $0xFFFF  }
0xb2: {  	_ =	strace $0x9000004D  }
0xb3: {  	[bflag:$0x2] =	sbarrier.arrive $0xFFFF  }
0xb4: {  	p0 =	sne.s32 s0, $0x0;
	s0 =	rddreg [dreg:$0x3]  }
0xb5: {  	s0 =	sadd.s32 @!p0 $0x100000, s0  }
0xb6: {  	[sflag:s0] =	ssyncadd.tile.s32 @!p0 $0x1;
	_ =	shalt  }
.Lfunc_end2:
_tile_overlayer_lowered:
.L_overlay_start_2:
0xb7: {  	(tag) =	ssettag $0x2  }
0xb8: {  	s0 =	rddreg [dreg:$0x0];
	s2 =	stileid.u32  }
0xb9: {  	s1 =	rddreg [dreg:$0x1];
	p0 =	sne.s32 s2, $0x0  }
0xba: {  	s3 =	rddreg [dreg:$0x2];
	[bflag:$0x3] =	sbarrier.arrive $0xFFFF;
	s2 =	simm.s32 @!p0 $0x1C07  }
0xbb: {  	[timem:s3], [sflag:s2] =	dma.local @!p0 [hbm:s0], s1  }
0xbc: {  	s0 =	simm.s32 @!p0 $0x7  }
0xbd: {  	_ =	swait.ge @!p0 [sflag:s0], s1  }
0xbe: {  	s1 =	ssub.s32 @!p0 $0x0, s1;
	[sflag:s0] =	ssyncset.done @!p0 $0x0  }
0xbf: {  	[sflag:s0] =	ssyncadd.s32 @!p0 s1  }
0xc0: {  	[bflag:$0x3] =	sbarrier.arrive $0xFFFF  }
0xc1: {  	_ =	shalt  }

// kernel: kernel.8.cloned.1.call-start
scs
__scs_entry_jumppad:
0x0: {  	(pc) =	sbr.rel $0x88, $3  }
0x1: {  	(tag) =	ssettag $0x0;
	lr =	simm.s32 $0x1  }
0x2: {  	[smem:$0x3F95] =	sst lr;
	_ =	strace $0xD0000000  }
0x3: {  	_ = 	snop  }
0x4: {  	_ = 	snop  }
0x5: {  	_ = 	snop  }
0x6: {  	_ = 	snop  }
0x7: {  	_ = 	snop  }
__scs_overlays_trampoline_lowered:
0x8: {  	[smem:$0x3FA4] =	sst s0  }
0x9: {  	[smem:$0x3FA5] =	sst s1  }
0xa: {  	[smem:$0x3FA6] =	sst s2  }
0xb: {  	[smem:$0x3FA7] =	sst s3  }
0xc: {  	[smem:$0x3FA8] =	sst s4  }
0xd: {  	[smem:$0x3FA9] =	sst s5  }
0xe: {  	[smem:$0x3FAA] =	sst s6  }
0xf: {  	[smem:$0x3FAB] =	sst s7  }
0x10: {  	[smem:$0x3FAC] =	sst s8  }
0x11: {  	[smem:$0x3FAD] =	sst s9;
	s0 =	simm.s32 @!p0 $0x0  }
0x12: {  	s1 =	sld [smem:$0x3F93];
	s0 =	simm.s32 @p0 $0x1  }
0x13: {  	[smem:$0x3FAE] =	sst s0;
	s0 =	simm.s32 @!p1 $0x0  }
0x14: {  	s2 =	sld [smem:$0x3F92];
	s0 =	simm.s32 @p1 $0x1  }
0x15: {  	[smem:$0x3FAF] =	sst s0;
	s0 =	simm.s32 @!p2 $0x0  }
0x16: {  	s3 =	sld [smem:$0x3FDB];
	s0 =	simm.s32 @p2 $0x1  }
0x17: {  	s4 =	simm.s32 $0x1BF5;
	[smem:$0x3FB1] =	sst s0  }
0x18: {  	s0 =	sld [smem:$0x3F94];
	_ =	swait.ge [sflag:s4], $0x0  }
0x19: {  	s7 =	sld [smem:$0x3F95]  }
0x1a: {  	s8 =	sadd.s32 $0xFFFFE003, lr  }
0x1b: {  	s9 =	sadd.s32 $0xFFFFFEF7, lr;
	s5 =	simm.s32 $0xFFFFFFFF;
	p2 =	slt.u32 s8, $0xFFFFF086  }
0x1c: {  	p1 =	slt.u32 s9, $0xF7A;
	s5 =	simm.s32 @!p2 $0x0  }
0x1d: {  	s5 =	simm.s32 @p1 $0x1;
	p0 =	seq.s32 s7, s2  }
0x1e: {  	s7 =	smul.u32 @!p0 $0xF7A, s2;
	p2 =	seq.s32 @!p0 s5, $0x0  }
0x1f: {  	s9 =	smul.u32 $0xF7A, s1;
	s8 =	simm.s32 @!p0 $0x1BF5;
	p2 =	por !p2, p0  }
0x20: {  	[sflag:s8] =	ssyncset.s32 @!p0 $0xFFFFF086;
	s6 =	sadd.s32 @!p0 s3, s7;
	s7 =	simm.s32 @!p0 $0x108  }
0x21: {  	s3 =	sadd.s32 s3, s9;
	s6 =	sadd.s32 @!p0 $0x88, s6;
	s7 =	simm.s32 @p2 $0x1082  }
0x22: {  	[simem:s7], [sflag:s8] =	dma.local @!p0 [hbm:s6], $0xF7A  }
0x23: {  	s9 =	sor.u32 $0xD0000000, s2;
	s6 =	simm.s32 $0x108;
	_ =	swait.ge @!p0 [sflag:s8], $0x0  }
0x24: {  	s3 =	sadd.s32 $0x88, s3;
	s6 =	simm.s32 @!p1 $0x1082;
	[sflag:s4] =	ssyncset.s32 $0xFFFFF086  }
0x25: {  	[simem:s6], [sflag:s4] =	dma.local [hbm:s3], $0xF7A  }
0x26: {  	[smem:$0x3F95] =	sst s1;
	(tag) =	ssettag s2;
	_ =	strace s9  }
0x27: {  	s1 =	sld [smem:$0x3FA5]  }
0x28: {  	s2 =	sld [smem:$0x3FA6]  }
0x29: {  	s4 =	sld [smem:$0x3FA8]  }
0x2a: {  	p0 =	seq.s32 s5, $0x0;
	s5 =	sld [smem:$0x3FA9]  }
0x2b: {  	s6 =	sld [smem:$0x3FAA]  }
0x2c: {  	s7 =	sld [smem:$0x3FAB]  }
0x2d: {  	s3 =	simm.s32 $0x108;
	s8 =	sld [smem:$0x3FAC]  }
0x2e: {  	s3 =	simm.s32 @!p0 $0x1082;
	s9 =	sld [smem:$0x3FAD]  }
0x2f: {  	lr =	sadd.s32 s0, s3;
	s0 =	sld [smem:$0x3FA4]  }
0x30: {  	s3 =	sld [smem:$0x3FA7]  }
0x31: {  	[smem:$0x3FB0] =	sst s10  }
0x32: {  	s10 =	sld [smem:$0x3FAE];
	_ =	sdelay $0x3  }
0x33: {  	p0 =	seq.s32 s10, $0x1;
	s10 =	sld [smem:$0x3FB0];
	_ =	sdelay $0x3  }
0x34: {  	[smem:$0x3FB0] =	sst s10  }
0x35: {  	s10 =	sld [smem:$0x3FAF];
	_ =	sdelay $0x3  }
0x36: {  	p1 =	seq.s32 s10, $0x1;
	s10 =	sld [smem:$0x3FB0];
	_ =	sdelay $0x3  }
0x37: {  	[smem:$0x3FB0] =	sst s10  }
0x38: {  	s10 =	sld [smem:$0x3FB1]  }
0x39: {  	_ = 	snop;
	(pc) =	sbr.ind lr, $3  }
0x3a: {  	_ = 	snop  }
0x3b: {  	_ = 	snop  }
0x3c: {  	p2 =	seq.s32 s10, $0x1;
	s10 =	sld [smem:$0x3FB0]  }
0x3d: {  	_ =	shalt  }
0x3e: {  	_ =	shalt  }
0x3f: {  	_ =	shalt  }
0x40: {  	_ =	shalt  }
0x41: {  	_ =	shalt  }
0x42: {  	_ =	shalt  }
0x43: {  	_ =	shalt  }
0x44: {  	_ =	shalt  }
0x45: {  	_ =	shalt  }
0x46: {  	_ =	shalt  }
0x47: {  	_ =	shalt  }
0x48: {  	_ =	shalt  }
0x49: {  	_ =	shalt  }
0x4a: {  	_ =	shalt  }
0x4b: {  	_ =	shalt  }
0x4c: {  	_ =	shalt  }
0x4d: {  	_ =	shalt  }
0x4e: {  	_ =	shalt  }
0x4f: {  	_ =	shalt  }
0x50: {  	_ =	shalt  }
0x51: {  	_ =	shalt  }
0x52: {  	_ =	shalt  }
0x53: {  	_ =	shalt  }
0x54: {  	_ =	shalt  }
0x55: {  	_ =	shalt  }
0x56: {  	_ =	shalt  }
0x57: {  	_ =	shalt  }
0x58: {  	_ =	shalt  }
0x59: {  	_ =	shalt  }
0x5a: {  	_ =	shalt  }
0x5b: {  	_ =	shalt  }
0x5c: {  	_ =	shalt  }
0x5d: {  	_ =	shalt  }
0x5e: {  	_ =	shalt  }
0x5f: {  	_ =	shalt  }
0x60: {  	_ =	shalt  }
0x61: {  	_ =	shalt  }
0x62: {  	_ =	shalt  }
0x63: {  	_ =	shalt  }
0x64: {  	_ =	shalt  }
0x65: {  	_ =	shalt  }
0x66: {  	_ =	shalt  }
0x67: {  	_ =	shalt  }
0x68: {  	_ =	shalt  }
0x69: {  	_ =	shalt  }
0x6a: {  	_ =	shalt  }
0x6b: {  	_ =	shalt  }
0x6c: {  	_ =	shalt  }
0x6d: {  	_ =	shalt  }
0x6e: {  	_ =	shalt  }
0x6f: {  	_ =	shalt  }
0x70: {  	_ =	shalt  }
0x71: {  	_ =	shalt  }
0x72: {  	_ =	shalt  }
0x73: {  	_ =	shalt  }
0x74: {  	_ =	shalt  }
0x75: {  	_ =	shalt  }
0x76: {  	_ =	shalt  }
0x77: {  	_ =	shalt  }
0x78: {  	_ =	shalt  }
0x79: {  	_ =	shalt  }
0x7a: {  	_ =	shalt  }
0x7b: {  	_ =	shalt  }
0x7c: {  	_ =	shalt  }
0x7d: {  	_ =	shalt  }
0x7e: {  	_ =	shalt  }
0x7f: {  	_ =	shalt  }
0x80: {  	_ =	shalt  }
0x81: {  	_ =	shalt  }
0x82: {  	_ =	shalt  }
0x83: {  	_ =	shalt  }
0x84: {  	_ =	shalt  }
0x85: {  	_ =	shalt  }
0x86: {  	_ =	shalt  }
0x87: {  	_ =	shalt  }
.Lfunc_end0:
.L_simem_size_0:
called_computation_lowered:
.L_overlay_start_0:
0x88: {  	s2 =	sld [smem:$0x3FD9]  }
0x89: {  	s3 =	sld [smem:$0x3FFE];
	_ =	sdelay $0x1  }
0x8a: {  	s1 =	srdreg.scid  }
0x8b: {  	s0 =	sand.u32 $0x1, s1  }
0x8c: {  	s14 =	sshll.u32 s0, $0xA;
	s2 =	sadd.s32 s3, s2  }
0x8d: {  	s2 =	sadd.s32 s2, s14  }
0x8e: {  	[smem:$0x3FBC] =	sst s2  }
0x8f: {  	_ = 	snop  }
0x90: {  	s2 =	sld [smem:$0x3FD0];
	_ =	sdelay $0x2  }
0x91: {  	s15 =	simm.s32 $0xA;
	s4 =	simm.s32 $0x10  }
0x92: {  	[smem:s4], [sflag:s15] =	dma.local [hbm:s2], $0x1  }
0x93: {  	_ =	swait.eq [sflag:s15], $0x1  }
0x94: {  	[sflag:s15] =	ssyncset.done $0x0  }
0x95: {  	s16 =	sld [smem:$0x10];
	[sflag:s15] =	ssyncadd.s32 $0xFFFFFFFF  }
0x96: {  	s17 =	sld [smem:$0x11];
	(tm) =	ssettm $0x1  }
0x97: {  	s18 =	sld [smem:$0x3FFB];
	_ =	sdelay $0x3  }
0x98: {  	_ =	strace s18  }
0x99: {  	s4 =	sld [smem:$0x3FFC];
	_ =	sdelay $0x3  }
0x9a: {  	_ =	strace s4  }
0x9b: {  	s4 =	sld [smem:$0x3FFD];
	_ =	sdelay $0x3  }
0x9c: {  	_ =	strace s4  }
0x9d: {  	_ =	strace $0x8FFFFFFF  }
0x9e: {  	s19 =	sld [smem:$0x3FDB];
	_ =	sdelay $0x1  }
0x9f: {  	s5 =	simm.s32 $_scs_section_size  }
0xa0: {  	s6 =	simm.s32 $_size__tile_overlayer_lowered;
	s7 =	simm.s32 $_tile_overlayer_lowered  }
0xa1: {  	s22 =	simm.s32 $0x1BFF;
	s21 =	sshll.u32 s7, $0x1;
	s4 =	sadd.s32 s5, s19  }
0xa2: {  	s8 =	simm.s32 $0x0;
	s20 =	sshll.u32 s6, $0x1;
	s6 =	sadd.s32 s21, s4  }
0xa3: {  	[timem:s8], [sflag:s22] =	dma.local [hbm:s6], s20  }
0xa4: {  	_ =	swait.ge [sflag:s22], s20  }
0xa5: {  	s5 =	ssub.s32 $0x0, s20;
	[sflag:s22] =	ssyncset.done $0x0  }
0xa6: {  	[sflag:s22] =	ssyncadd.s32 s5;
	_ =	sdelay $0x1  }
0xa7: {  	s23 =	simm.s32 $0x1B8B  }
0xa8: {  	_ =	swait.ge [sflag:s23], $0x1  }
0xa9: {  	[sflag:s23] =	ssyncset.done $0x0  }
0xaa: {  	s25 =	simm.s32 $0x1B8E;
	s24 =	sld [smem:$0x3FFE];
	[sflag:s23] =	ssyncadd.s32 $0xFFFFFFFF  }
0xab: {  	s26 =	simm.s32 $execute0_lowered;
	[smem:$0x3FD2] =	sst s25  }
0xac: {  	s6 =	sshll.u32 s26, $0x1;
	_ =	strace $0x80000046;
	[dreg:$0x1] =	wrdreg $0xFFFFFFFF  }
0xad: {  	s28 =	simm.s32 $_size_execute0_lowered;
	s4 =	sadd.s32 s4, s6;
	[dreg:$0x0] =	wrdreg $0x0  }
0xae: {  	s6 =	sshll.u32 s28, $0x1;
	[dreg:$0x2] =	wrdreg s4  }
0xaf: {  	[dreg:$0x3] =	wrdreg s6  }
0xb0: {  	[dreg:$0x4] =	wrdreg $0xC0  }
0xb1: {  	_ =	task [dreg:s8], $0x5FFFF  }
0xb2: {  	[dreg:$0x1] =	wrdreg $0xFFFFFFFF  }
0xb3: {  	[dreg:$0x0] =	wrdreg $0x60  }
0xb4: {  	[dreg:$0x2] =	wrdreg s17  }
0xb5: {  	[dreg:$0x3] =	wrdreg s16  }
0xb6: {  	[dreg:$0x4] =	wrdreg s24  }
0xb7: {  	[dreg:$0x5] =	wrdreg $0x41000  }
0xb8: {  	[dreg:$0x6] =	wrdreg $0x9  }
0xb9: {  	_ =	task.clear_ibuf [dreg:s8], $0x7FFFF;
	_ =	strace $0x90000046  }
0xba: {  	s29 =	simm.s32 $0x9;
	_ =	strace $0x80000048  }
0xbb: {  	_ =	swait.ge [sflag:s29], $0x1  }
0xbc: {  	[sflag:s29] =	ssyncadd.s32 $0xFFFFFFFF  }
0xbd: {  	_ =	strace $0x90000048  }
0xbe: {  	_ =	sfence  }
0xbf: {  	s30 =	sld [smem:$0x0];
	_ =	sdelay $0x2  }
0xc0: {  	s31 =	sshll.u32 s1, $0xD;
	s1 =	sshrl.u32 s1, $0x2  }
0xc1: {  	s3 =	sand.u32 $0x4000, s31;
	s1 =	sadd.s32 s1, s30  }
0xc2: {  	s0 =	sor.u32 s3, s0;
	s1 =	sshll.u32 s1, $0x11  }
0xc3: {  	s0 =	sor.u32 s1, s0  }
0xc4: {  	s0 =	sadd.s32 $0x8F2B, s0  }
0xc5: {  	[sflag:s0] =	ssyncadd.remote.s32 $0x1  }
0xc6: {  	_ =	sfence.sel $0xFFFF  }
0xc7: {  	[dreg:$0x0] =	wrdreg $0xFFFFFFFF;
	(pc) =	sbr.abs _section_cstart, $3  }
0xc8: {  	[dreg:$0x1] =	wrdreg $0xFFFFFFFF  }
0xc9: {  	_ =	task.clear_ibuf [dreg:s8], $0x2FFFF;
	_ =	strace $0x9FFFFFFF  }
0xca: {  	(tm) =	ssettm $0x7FFFFFFF  }
0xcb: {  	_ =	shalt  }
tec
execute0_lowered:
.L_overlay_start_1:
0x0: {  	(tag) =	ssettag $0x1  }
0x1: {  	s1 =	rddreg [dreg:$0x0]  }
0x2: {  	s2 =	rddreg [dreg:$0x1]  }
0x3: {  	s7 =	rddreg [dreg:$0x2]  }
0x4: {  	s4 =	rddreg [dreg:$0x3]  }
0x5: {  	s0 =	rddreg [dreg:$0x4]  }
0x6: {  	s6 =	srdreg.scid;
	s3 =	stileid.u32  }
0x7: {  	s5 =	simm.s32 $0x0;
	s15 =	simm.s32 $0x3;
	s16 =	simm.s32 $0x100  }
0x8: {  	s17 =	simm.s32 $0x80;
	s18 =	simm.s32 $0x1;
	s19 =	simm.s32 $0x2  }
0x9: {  	s20 =	simm.s32 $0x0;
	s6 =	sand.u32 $0x1, s6;
	s8 =	smul.u32 $0x2780, s3  }
0xa: {  	[smem:$0x7FF] =	sst s5;
	s26 =	smul.u32 $0x4F000, s3;
	s31 =	sshll.u32 s3, $0x6  }
0xb: {  	s9 =	smul.u32 $0x27800, s6;
	_ =	strace $0x80000047;
	s25 =	ssub.s32 $0x2, s6  }
0xc: {  	s6 =	sadd.s32 $0x3000, s7;
	s28 =	sshrl.u32 s25, $0x1;
	s29 =	sshrl.u32 s26, $0x2  }
0xd: {  	s13 =	sadd.s32 s8, s9;
	s11 =	ssub.s32 s25, s28;
	s14 =	sadd.s32 s29, s4  }
0xe: {  	s8 =	sor.u32 $0x1C03, s31;
	s10 =	sadd.s32 s13, s7;
	s30 =	sshrl.u32 s13, $0x3  }
0xf: {  	s12 =	sadd.s32 $0x180, s13;
	s11 =	smax.u32 s11, $0x1;
	s13 =	sadd.s32 $0x100, s13  }
0x10: {  	s14 =	sshrl.u32 s14, $0x3;
	s7 =	sadd.s32 s1, s30;
	s12 =	sshrl.u32 s12, $0x3  }
0x11: {  	s10 =	sadd.s32 $0x3800, s10;
	s9 =	sadd.s32 $0x10, s7;
	s12 =	sadd.s32 s12, s1  }
.LBB2_1:
0x12: {  	[spmem:s14], [sflag:s8] =	dma.local [hbm:s2], $0x2780  }
0x13: {  	_ =	swait.ge [sflag:s15], $0x2780  }
0x14: {  	[sflag:s15] =	ssyncset.done $0x0  }
0x15: {  	[sflag:s15] =	ssyncadd.s32 $0xFFFFD880  }
0x16: {  	[tilespmem:s16], [sflag:$0x3] =	stream.linear.gather [hbm4b:s6+s5], $0x4000, $0x38;
	[tilespmem:$0x17D00] =	vst v63  }
0x17: {  	_ =	swait.ge [sflag:s15], $0x4000  }
0x18: {  	[sflag:s15] =	ssyncset.done $0x0  }
0x19: {  	[sflag:s15] =	ssyncadd.s32 $0xFFFFC000  }
0x1a: {  	[bflag:$0x0] =	sbarrier.arrive $0xFFFF  }
0x1b: {  	[tilespmem:s5], [sflag:$0x1] =	stream.linear.gather [hbm4b:s7+s5], $0x80, $0x38;
	[tilespmem:$0x17D00] =	vst v63  }
0x1c: {  	_ = 	snop  }
0x1d: {  	[tilespmem:s17], [sflag:$0x2] =	stream.linear.gather [hbm4b:s9+s5], $0x80, $0x38;
	[tilespmem:$0x17D00] =	vst v63  }
0x1e: {  	_ =	swait.ge [sflag:s18], $0x80  }
0x1f: {  	[sflag:s18] =	ssyncset.done $0x0  }
0x20: {  	[sflag:s18] =	ssyncadd.s32 $0xFFFFFF80  }
0x21: {  	[spmem:s4] =	stream.indirect.scatter.add.f32 [tilespmem:s16], [sflag:$0x3], $0x80, s5, s17, $0xb8;
	[tilespmem:$0x17D00] =	vst v63  }
0x22: {  	_ =	swait.ge [sflag:s15], $0x4000  }
0x23: {  	s21 =	sshrl.u32 s13, $0x3;
	[sflag:s15] =	ssyncset.done $0x0  }
0x24: {  	s21 =	sadd.s32 s1, s21;
	[sflag:s15] =	ssyncadd.s32 $0xFFFFC000  }
0x25: {  	[tilespmem:s5], [sflag:$0x1] =	stream.linear.gather [hbm4b:s21+s5], $0x80, $0x38;
	[tilespmem:$0x17D00] =	vst v63  }
0x26: {  	_ =	swait.ge [sflag:s19], $0x80  }
0x27: {  	[sflag:s19] =	ssyncset.done $0x0  }
0x28: {  	[sflag:s19] =	ssyncadd.s32 $0xFFFFFF80  }
0x29: {  	[spmem:s4] =	stream.indirect.scatter.add.f32 [tilespmem:s16], [sflag:$0x3], $0x80, s17, s17, $0xb8;
	[tilespmem:$0x17D00] =	vst v63  }
0x2a: {  	_ =	swait.ge [sflag:s15], $0x4000  }
0x2b: {  	s23 =	sadd.s32 $0x0, s12;
	[sflag:s15] =	ssyncset.done $0x0  }
0x2c: {  	s22 =	sadd.s32 $0x100, s13;
	s21 =	simm.s32 $0x20;
	[sflag:s15] =	ssyncadd.s32 $0xFFFFC000  }
.LBB2_2:
0x2d: {  	[tilespmem:s17], [sflag:$0x2] =	stream.linear.gather [hbm4b:s23+s5], $0x80, $0x38;
	[tilespmem:$0x17D00] =	vst v63  }
0x2e: {  	s23 =	smov.u32 s21  }
0x2f: {  	p0 =	sne.s32 s21, $0x4C0;
	s21 =	sadd.s32 $0x20, s21;
	_ =	swait.ge [sflag:s18], $0x80  }
0x30: {  	[sflag:s18] =	ssyncset.done $0x0  }
0x31: {  	[sflag:s18] =	ssyncadd.s32 $0xFFFFFF80  }
0x32: {  	[spmem:s4] =	stream.indirect.scatter.add.f32 [tilespmem:s16], [sflag:$0x3], $0x80, s5, s17, $0xb8;
	[tilespmem:$0x17D00] =	vst v63  }
0x33: {  	_ =	swait.ge [sflag:s15], $0x4000  }
0x34: {  	s24 =	sshrl.u32 s22, $0x3;
	[sflag:s15] =	ssyncset.done $0x0  }
0x35: {  	s24 =	sadd.s32 s1, s24;
	[sflag:s15] =	ssyncadd.s32 $0xFFFFC000  }
0x36: {  	[tilespmem:s5], [sflag:$0x1] =	stream.linear.gather [hbm4b:s24+s5], $0x80, $0x38;
	[tilespmem:$0x17D00] =	vst v63  }
0x37: {  	_ =	swait.ge [sflag:s19], $0x80  }
0x38: {  	[sflag:s19] =	ssyncset.done $0x0  }
.Ltmp0:
0x39: {  	[sflag:s19] =	ssyncadd.s32 $0xFFFFFF80;
	(pc) =	sbr.rel @p0 .LBB2_2-.Ltmp0, $4  }
0x3a: {  	[spmem:s4] =	stream.indirect.scatter.add.f32 [tilespmem:s16], [sflag:$0x3], $0x80, s17, s17, $0xb8;
	[tilespmem:$0x17D00] =	vst v63  }
0x3b: {  	_ =	swait.ge [sflag:s15], $0x4000  }
0x3c: {  	[sflag:s15] =	ssyncset.done $0x0  }
0x3d: {  	s22 =	sadd.s32 $0x100, s22;
	s23 =	sadd.s32 s23, s12;
	[sflag:s15] =	ssyncadd.s32 $0xFFFFC000  }
0x3e: {  	[tilespmem:s17], [sflag:$0x2] =	stream.linear.gather [hbm4b:s23+s5], $0x80, $0x38;
	[tilespmem:$0x17D00] =	vst v63  }
0x3f: {  	_ =	swait.ge [sflag:s18], $0x80  }
0x40: {  	[sflag:s18] =	ssyncset.done $0x0  }
0x41: {  	[sflag:s18] =	ssyncadd.s32 $0xFFFFFF80  }
0x42: {  	[spmem:s4] =	stream.indirect.scatter.add.f32 [tilespmem:s16], [sflag:$0x3], $0x80, s5, s17, $0xb8;
	[tilespmem:$0x17D00] =	vst v63  }
0x43: {  	_ =	swait.ge [sflag:s15], $0x4000  }
0x44: {  	[sflag:s15] =	ssyncset.done $0x0  }
0x45: {  	[sflag:s15] =	ssyncadd.s32 $0xFFFFC000  }
0x46: {  	_ =	swait.ge [sflag:s19], $0x80  }
0x47: {  	s20 =	sadd.s32 $0x1, s20;
	[sflag:s19] =	ssyncset.done $0x0  }
0x48: {  	p0 =	sne.s32 s20, s11;
	[sflag:s19] =	ssyncadd.s32 $0xFFFFFF80  }
.Ltmp1:
0x49: {  	[bflag:$0x0] =	sbarrier.arrive $0xFFFF;
	(pc) =	sbr.rel @p0 .LBB2_1-.Ltmp1, $4  }
0x4a: {  	[hbm:s10], [sflag:s8] =	dma.local [spmem:s14], $0x2780  }
0x4b: {  	_ =	swait.ge [sflag:s15], $0x2780  }
0x4c: {  	[sflag:s15] =	ssyncset.done $0x0  }
0x4d: {  	[sflag:s15] =	ssyncadd.s32 $0xFFFFD880  }
0x4e: {  	_ =	sfence.sel $0x180000  }
0x4f: {  	[bflag:$0x0] =	sbarrier.arrive $0xFFFF  }
0x50: {  	p0 =	sne.s32 s3, $0x0;
	_ =	strace $0x90000047  }
0x51: {  	s0 =	sadd.s32 @!p0 $0x100000, s0;
	[bflag:$0x2] =	sbarrier.arrive $0xFFFF  }
0x52: {  	[sflag:s0] =	ssyncadd.tile.s32 @!p0 $0x1;
	_ =	shalt  }
.Lfunc_end2:
_tile_overlayer_lowered:
.L_overlay_start_2:
0x53: {  	(tag) =	ssettag $0x2  }
0x54: {  	s0 =	rddreg [dreg:$0x0];
	s2 =	stileid.u32  }
0x55: {  	s1 =	rddreg [dreg:$0x1];
	p0 =	sne.s32 s2, $0x0  }
0x56: {  	s3 =	rddreg [dreg:$0x2];
	[bflag:$0x3] =	sbarrier.arrive $0xFFFF;
	s2 =	simm.s32 @!p0 $0x1C03  }
0x57: {  	[timem:s3], [sflag:s2] =	dma.local @!p0 [hbm:s0], s1  }
0x58: {  	s0 =	simm.s32 @!p0 $0x3  }
0x59: {  	_ =	swait.ge @!p0 [sflag:s0], s1  }
0x5a: {  	s1 =	ssub.s32 @!p0 $0x0, s1;
	[sflag:s0] =	ssyncset.done @!p0 $0x0  }
0x5b: {  	[sflag:s0] =	ssyncadd.s32 @!p0 s1  }
0x5c: {  	[bflag:$0x3] =	sbarrier.arrive $0xFFFF  }
0x5d: {  	_ =	shalt  }

</sc_bundles>
